<compile_context>
chip_gen: v7x
topology: tpu7x:2x2x1
jax: 0.10.2.dev20260603
libtpu: 0.0.44.dev20260713+nightly
codegen_flags: <defaults>
</compile_context>

<pallas_src>
import jax
import jax.numpy as jnp
from jax import lax
from jax.experimental import pallas as pl
from jax.experimental.pallas import tpu as pltpu
from jax.experimental.pallas import tpu_sc as plsc

NE = 64
NK = 32
D = 2048
DFF = 768
NTOK = 2048
TOPK = 2

EPAD = 128
TB = 256
T = 256
NB = 48
PPAD = NB * T

NEG = -1e30


def _router_body(x_ref, gk_ref, bias_ref, o2n_ref,
                 exp_ref, rank_ref, w_ref, offs_ref, be_ref, nb_ref,
                 carry_ref):
    t = pl.program_id(0)

    @pl.when(t == 0)
    def _():
        carry_ref[...] = jnp.zeros_like(carry_ref)

    xb = x_ref[...]
    gk = gk_ref[...]
    logits = lax.dot_general(xb, gk, (((1,), (1,)), ((), ())),
                             preferred_element_type=jnp.float32)
    logits = logits + bias_ref[...]

    lane = lax.broadcasted_iota(jnp.int32, (TB, EPAD), 1)
    m0 = jnp.max(logits, axis=1, keepdims=True)
    a0 = jnp.min(jnp.where(logits == m0, lane, EPAD), axis=1, keepdims=True)
    masked = jnp.where(lane == a0, NEG, logits)
    m1 = jnp.max(masked, axis=1, keepdims=True)
    a1 = jnp.min(jnp.where(masked == m1, lane, EPAD), axis=1, keepdims=True)

    w0 = jax.nn.sigmoid(m0 - m1)
    w1 = jax.nn.sigmoid(m1 - m0)

    o2n = o2n_ref[...]
    e0 = jnp.sum(jnp.where(lane == a0, o2n, 0), axis=1, keepdims=True)
    e1 = jnp.sum(jnp.where(lane == a1, o2n, 0), axis=1, keepdims=True)

    oh0 = (lane == e0).astype(jnp.float32)
    oh1 = (lane == e1).astype(jnp.float32)
    both = oh0 + oh1
    row = lax.broadcasted_iota(jnp.int32, (TB, TB), 0)
    col = lax.broadcasted_iota(jnp.int32, (TB, TB), 1)
    ltri = (row > col).astype(jnp.float32)
    csum = jnp.dot(ltri, both, preferred_element_type=jnp.float32)
    carry = carry_ref[...]
    base_cnt = csum + carry
    rank0 = jnp.sum(oh0 * base_cnt, axis=1, keepdims=True)
    rank1 = jnp.sum(oh1 * base_cnt, axis=1, keepdims=True)
    carry_ref[...] = carry + jnp.sum(both, axis=0, keepdims=True)

    exp_ref[0] = jnp.concatenate([e0, e1], axis=1)
    rank_ref[0] = jnp.concatenate([rank0, rank1], axis=1).astype(jnp.int32)
    w_ref[0] = jnp.concatenate([w0, w1], axis=1)

    cnt = carry_ref[...]
    pad_cnt = jnp.ceil(cnt / T) * T
    rowm = lax.broadcasted_iota(jnp.int32, (EPAD, EPAD), 0)
    colm = lax.broadcasted_iota(jnp.int32, (EPAD, EPAD), 1)
    um = (rowm < colm).astype(jnp.float32)
    offs = jnp.dot(pad_cnt, um, preferred_element_type=jnp.float32)
    offs_end = offs + pad_cnt
    total = jnp.sum(pad_cnt)
    nbv = (total / T).astype(jnp.int32)
    bv = (lax.broadcasted_iota(jnp.int32, (NB, EPAD), 0) * T).astype(jnp.float32)
    be = jnp.sum((offs_end <= bv).astype(jnp.int32), axis=1, keepdims=True)
    be = jnp.minimum(be, NK - 1)
    offs_ref[...] = offs.astype(jnp.int32).reshape(1, 1, EPAD)
    be_ref[0] = be
    nb_ref[...] = jnp.full((1, 1, 8), nbv, jnp.int32)


def _run_router(x2d, gkp, bias_row, o2n_row):
    nsteps = NTOK // TB
    out = pl.pallas_call(
        _router_body,
        grid=(nsteps,),
        in_specs=[
            pl.BlockSpec((TB, D), lambda t: (t, 0)),
            pl.BlockSpec((EPAD, D), lambda t: (0, 0)),
            pl.BlockSpec((1, EPAD), lambda t: (0, 0)),
            pl.BlockSpec((1, EPAD), lambda t: (0, 0)),
        ],
        out_specs=[
            pl.BlockSpec((1, TB, TOPK), lambda t: (t, 0, 0)),
            pl.BlockSpec((1, TB, TOPK), lambda t: (t, 0, 0)),
            pl.BlockSpec((1, TB, TOPK), lambda t: (t, 0, 0)),
            pl.BlockSpec((1, 1, EPAD), lambda t: (0, 0, 0)),
            pl.BlockSpec((1, NB, 1), lambda t: (0, 0, 0)),
            pl.BlockSpec((1, 1, 8), lambda t: (0, 0, 0)),
        ],
        out_shape=[
            jax.ShapeDtypeStruct((nsteps, TB, TOPK), jnp.int32),
            jax.ShapeDtypeStruct((nsteps, TB, TOPK), jnp.int32),
            jax.ShapeDtypeStruct((nsteps, TB, TOPK), jnp.float32),
            jax.ShapeDtypeStruct((1, 1, EPAD), jnp.int32),
            jax.ShapeDtypeStruct((1, NB, 1), jnp.int32),
            jax.ShapeDtypeStruct((1, 1, 8), jnp.int32),
        ],
        scratch_shapes=[pltpu.VMEM((1, EPAD), jnp.float32)],
        interpret=False,
    )(x2d, gkp, bias_row, o2n_row)
    exp_flat = out[0].reshape(TOPK * NTOK)
    rank_flat = out[1].reshape(TOPK * NTOK)
    w_flat = out[2].reshape(TOPK * NTOK)
    offs = out[3].reshape(EPAD)[:NK]
    be = out[4].reshape(NB)
    nbv8 = out[5].reshape(8)
    return exp_flat, rank_flat, w_flat, offs, be, nbv8


NASSIGN = TOPK * NTOK
_SC_MESH = dict(core_axis_name="c", subcore_axis_name="s",
                num_cores=2, num_subcores=16)


def _scatter_body(exp_hbm, rank_hbm, w_hbm, offs_hbm,
                  tok_hbm, ws_hbm, pos_hbm,
                  exp_v, rank_v, w_v, offs_v, tok_v, ws_v, pos_v):
    cid = lax.axis_index("c")
    sid = lax.axis_index("s")

    @pl.when((cid == 0) & (sid == 0))
    def _():
        pltpu.sync_copy(exp_hbm, exp_v)
        pltpu.sync_copy(rank_hbm, rank_v)
        pltpu.sync_copy(w_hbm, w_v)
        pltpu.sync_copy(offs_hbm, offs_v)
        zi = jnp.zeros((16,), jnp.int32)
        zf = jnp.zeros((16,), jnp.float32)

        def zbody(i, carry):
            tok_v[pl.ds(i * 16, 16)] = zi
            ws_v[pl.ds(i * 16, 16)] = zf
            return carry

        lax.fori_loop(0, PPAD // 16, zbody, 0)
        iota = lax.iota(jnp.int32, 16)

        def body(ch, carry):
            base = ch * 16
            e = exp_v[pl.ds(base, 16)]
            r = rank_v[pl.ds(base, 16)]
            wv = w_v[pl.ds(base, 16)]
            p = plsc.load_gather(offs_v, [e]) + r
            i_vec = base + iota
            tkn = lax.shift_right_logical(i_vec, 1)
            plsc.store_scatter(tok_v, [p], tkn)
            plsc.store_scatter(ws_v, [p], wv)
            pos_v[pl.ds(base, 16)] = p
            return carry

        lax.fori_loop(0, NASSIGN // 16, body, 0)
        pltpu.sync_copy(tok_v, tok_hbm)
        pltpu.sync_copy(ws_v, ws_hbm)
        pltpu.sync_copy(pos_v, pos_hbm)


def _scatter_meta(exp_flat, rank_flat, w_flat, offs):
    fn = pl.kernel(
        _scatter_body,
        out_type=[
            jax.ShapeDtypeStruct((PPAD,), jnp.int32),
            jax.ShapeDtypeStruct((PPAD,), jnp.float32),
            jax.ShapeDtypeStruct((NASSIGN,), jnp.int32),
        ],
        mesh=plsc.VectorSubcoreMesh(**_SC_MESH),
        compiler_params=pltpu.CompilerParams(needs_layout_passes=False),
        scratch_types=[
            pltpu.VMEM((NASSIGN,), jnp.int32),
            pltpu.VMEM((NASSIGN,), jnp.int32),
            pltpu.VMEM((NASSIGN,), jnp.float32),
            pltpu.VMEM((NK,), jnp.int32),
            pltpu.VMEM((PPAD,), jnp.int32),
            pltpu.VMEM((PPAD,), jnp.float32),
            pltpu.VMEM((NASSIGN,), jnp.int32),
        ],
    )
    return fn(exp_flat, rank_flat, w_flat, offs)


def _mlp_body(be_ref, nb_ref, x_ref, tok_ref, gu_ref, dp_ref, w_ref, out_ref):
    b = pl.program_id(0)
    nbv = nb_ref[0]

    @pl.when(b == 0)
    def _():
        out_ref[...] = jnp.zeros_like(out_ref)

    @pl.when(b < nbv)
    def _():
        tok_row = tok_ref[0]
        sub = lax.broadcasted_iota(jnp.int32, (NTOK, T), 0)
        hit = sub == tok_row
        permt = hit.astype(jnp.bfloat16)
        xb = lax.dot_general(permt, x_ref[...], (((0,), (0,)), ((), ())),
                             preferred_element_type=jnp.float32)
        xb = xb.astype(jnp.bfloat16)
        gu = gu_ref[0].astype(jnp.bfloat16)
        g_up = lax.dot_general(xb, gu, (((1,), (1,)), ((), ())),
                               preferred_element_type=jnp.float32)
        gate = g_up[:, :DFF]
        up = g_up[:, DFF:]
        h = gate * jax.nn.sigmoid(gate) * up
        dp = dp_ref[0].astype(jnp.bfloat16)
        y = lax.dot_general(h.astype(jnp.bfloat16), dp,
                            (((1,), (1,)), ((), ())),
                            preferred_element_type=jnp.float32)
        permw = jnp.where(hit, w_ref[0], 0.0).astype(jnp.bfloat16)
        delta = lax.dot_general(permw, y.astype(jnp.bfloat16),
                                (((1,), (0,)), ((), ())),
                                preferred_element_type=jnp.float32)
        out_ref[...] += delta


def _run_mlp(x_bf, tok3, gate_up_proj, down_proj, ws3, be, nbv):
    def _clamped(b, be_s, nb_s):
        return jnp.where(b < nb_s[0], b, nb_s[0] - 1)

    grid_spec = pltpu.PrefetchScalarGridSpec(
        num_scalar_prefetch=2,
        grid=(NB,),
        in_specs=[
            pl.BlockSpec((NTOK, D), lambda b, be_s, nb_s: (0, 0)),
            pl.BlockSpec((1, 1, T), lambda b, be_s, nb_s: (_clamped(b, be_s, nb_s), 0, 0)),
            pl.BlockSpec((1, 2 * DFF, D),
                         lambda b, be_s, nb_s: (be_s[_clamped(b, be_s, nb_s)], 0, 0)),
            pl.BlockSpec((1, D, DFF),
                         lambda b, be_s, nb_s: (be_s[_clamped(b, be_s, nb_s)], 0, 0)),
            pl.BlockSpec((1, 1, T), lambda b, be_s, nb_s: (_clamped(b, be_s, nb_s), 0, 0)),
        ],
        out_specs=pl.BlockSpec((NTOK, D), lambda b, be_s, nb_s: (0, 0)),
    )
    return pl.pallas_call(
        _mlp_body,
        grid_spec=grid_spec,
        out_shape=jax.ShapeDtypeStruct((NTOK, D), jnp.float32),
        compiler_params=pltpu.CompilerParams(
            vmem_limit_bytes=120 * 1024 * 1024),
        interpret=False,
    )(be, nbv, x_bf, tok3, gate_up_proj, down_proj, ws3)


def kernel(hidden_states, gate_weight, gate_up_proj, down_proj, old_to_new):
    bsz, seq, _ = hidden_states.shape
    x2d = hidden_states.reshape(NTOK, D)

    gkp = jnp.zeros((EPAD, D), jnp.float32).at[:NE].set(gate_weight)
    pruned = old_to_new < 0
    bias_row = jnp.where(
        jnp.concatenate([pruned, jnp.ones((EPAD - NE,), bool)]),
        jnp.float32(NEG), jnp.float32(0.0)).reshape(1, EPAD)
    o2n_row = jnp.concatenate(
        [old_to_new, jnp.zeros((EPAD - NE,), jnp.int32)]).reshape(1, EPAD)

    exp_flat, rank_flat, w_flat, offs, be, nbv8 = _run_router(
        x2d, gkp, bias_row, o2n_row)

    tok_sorted, w_sorted, pos = _scatter_meta(exp_flat, rank_flat, w_flat, offs)

    x_bf = x2d.astype(jnp.bfloat16)
    tok3 = tok_sorted.reshape(NB, 1, T)
    ws3 = w_sorted.reshape(NB, 1, T)
    out = _run_mlp(x_bf, tok3, gate_up_proj, down_proj, ws3, be, nbv8[:1])
    return out.reshape(bsz, seq, D)

# --- scband reference (transcript-rebuilt; emitter-appended) ---
"""Pipeline reference for scband-pruned-qwen3-moe-sparse-moe-block-48593259986978 (READ-ONLY COPY).

The authoritative reference and input builder live on the scoring server;
editing this copy changes nothing except your own understanding.
"""

import jax, jax.numpy as jnp
import numpy as np

NUM_EXPERTS = 64
NUM_KEPT = 32
TOP_K = 2
D_MODEL = 2048
D_FF = 768
B, S = 1, 2048


def setup_inputs(seed: int = 0) -> dict:
    key = jax.random.key(seed)
    k1, k2, k3, k4 = jax.random.split(key, 4)
    hidden_states = jax.random.normal(k1, (B, S, D_MODEL), dtype=jnp.float32)
    gate_weight = jax.random.normal(k2, (NUM_EXPERTS, D_MODEL), dtype=jnp.float32) * 0.02
    gate_up_proj = jax.random.normal(k3, (NUM_KEPT, 2 * D_FF, D_MODEL), dtype=jnp.float32) * 0.02
    down_proj = jax.random.normal(k4, (NUM_KEPT, D_MODEL, D_FF), dtype=jnp.float32) * 0.02
    # keep_indices = arange(NUM_KEPT): kept experts map to 0..NUM_KEPT-1, pruned -> -1
    old_to_new = jnp.concatenate([
        jnp.arange(NUM_KEPT, dtype=jnp.int32),
        -jnp.ones(NUM_EXPERTS - NUM_KEPT, dtype=jnp.int32),
    ])
    return {
        'hidden_states': hidden_states,
        'gate_weight': gate_weight,
        'gate_up_proj': gate_up_proj,
        'down_proj': down_proj,
        'old_to_new': old_to_new,
    }


def reference(hidden_states, gate_weight, gate_up_proj, down_proj, old_to_new):
    batch_size, seq_len, hidden_dim = hidden_states.shape
    x = hidden_states.reshape(-1, hidden_dim)
    # router logits with pruned experts masked to -inf
    router_logits = x @ gate_weight.T
    pruned_mask = old_to_new == -1
    router_logits = jnp.where(pruned_mask[None, :], -jnp.inf, router_logits)
    router_probs = jax.nn.softmax(router_logits.astype(jnp.float32), axis=-1).astype(router_logits.dtype)
    router_top_value, router_indices = jax.lax.top_k(router_probs, TOP_K)
    # norm_topk_prob
    router_top_value = router_top_value / jnp.sum(router_top_value, axis=-1, keepdims=True)
    routing_weights = router_top_value
    selected_experts_new = old_to_new[router_indices]
    final_hidden_states = jnp.zeros_like(x)
    num_kept = gate_up_proj.shape[0]
    for expert_idx in range(num_kept):
        match = selected_experts_new == expert_idx
        weight = jnp.sum(jnp.where(match, routing_weights, jnp.zeros_like(routing_weights)), axis=-1)
        gu = x @ gate_up_proj[expert_idx].T
        gate, up = jnp.split(gu, 2, axis=-1)
        h = jax.nn.silu(gate) * up
        h = h @ down_proj[expert_idx].T
        h = h * weight[:, None]
        final_hidden_states = final_hidden_states + h
    return final_hidden_states.reshape(batch_size, seq_len, hidden_dim)

if __name__ == "__main__":
    import jax
    _d = setup_inputs()
    print(jax.jit(kernel)(*tuple(_d.values())))

</pallas_src>

<mosaic_0001>
#map = affine_map<(d0, d1) -> (0)>
module attributes {stable_mosaic.version = 14 : i64} {
  func.func @_scatter_body(%arg0: i32, %arg1: i32, %arg2: memref<4096xi32, #tpu.memory_space<hbm>>, %arg3: memref<4096xi32, #tpu.memory_space<hbm>>, %arg4: memref<4096xf32, #tpu.memory_space<hbm>>, %arg5: memref<32xi32, #tpu.memory_space<hbm>>, %arg6: memref<12288xi32, #tpu.memory_space<hbm>>, %arg7: memref<12288xf32, #tpu.memory_space<hbm>>, %arg8: memref<4096xi32, #tpu.memory_space<hbm>>, %arg9: memref<4096xi32, #tpu.memory_space<vmem>>, %arg10: memref<4096xi32, #tpu.memory_space<vmem>>, %arg11: memref<4096xf32, #tpu.memory_space<vmem>>, %arg12: memref<32xi32, #tpu.memory_space<vmem>>, %arg13: memref<12288xi32, #tpu.memory_space<vmem>>, %arg14: memref<12288xf32, #tpu.memory_space<vmem>>, %arg15: memref<4096xi32, #tpu.memory_space<vmem>>) attributes {dimension_semantics = [#tpu.dimension_semantics<core_parallel>, #tpu.dimension_semantics<subcore_parallel>], iteration_bounds = array<i64: 2, 16>, scalar_prefetch = 0 : i64, scratch_operands = 7 : i64, tpu.core_type = #tpu.core_type<sc_vector_subcore>, window_params = [{transform_indices = #map}, {transform_indices = #map}, {transform_indices = #map}, {transform_indices = #map}, {transform_indices = #map}, {transform_indices = #map}, {transform_indices = #map}]} {
    %eq3A = arith.constant 0 : i32
    %eq3A_0 = arith.cmpi eq, %arg0, %eq3A : i32
    %eq3A_1 = arith.constant 0 : i32
    %eq3A_2 = arith.cmpi eq, %arg1, %eq3A_1 : i32
    %and3A = arith.andi %eq3A_0, %eq3A_2 : i1
    %convert_element_type3A = arith.extui %and3A : i1 to i32
    %cond3A = arith.constant 0 : i32
    %cond3A_3 = arith.cmpi ne, %convert_element_type3A, %cond3A : i32
    scf.if %cond3A_3 {
      "tpu.region"() ({
        %run_scoped3A = tpu.sem_alloc : memref<!tpu.dma_semaphore, #tpu.memory_space<semaphore_mem>>
        tpu.enqueue_dma source(%arg2 : memref<4096xi32, #tpu.memory_space<hbm>>) target(%arg9 : memref<4096xi32, #tpu.memory_space<vmem>>) target_semaphore(%run_scoped3A : memref<!tpu.dma_semaphore, #tpu.memory_space<semaphore_mem>>)
        tpu.wait_dma2 semaphore(%run_scoped3A : memref<!tpu.dma_semaphore, #tpu.memory_space<semaphore_mem>>) src(%arg2 : memref<4096xi32, #tpu.memory_space<hbm>>) dst(%arg9 : memref<4096xi32, #tpu.memory_space<vmem>>)
        tpu.yield
      }) : () -> ()
      "tpu.region"() ({
        %run_scoped3A = tpu.sem_alloc : memref<!tpu.dma_semaphore, #tpu.memory_space<semaphore_mem>>
        tpu.enqueue_dma source(%arg3 : memref<4096xi32, #tpu.memory_space<hbm>>) target(%arg10 : memref<4096xi32, #tpu.memory_space<vmem>>) target_semaphore(%run_scoped3A : memref<!tpu.dma_semaphore, #tpu.memory_space<semaphore_mem>>)
        tpu.wait_dma2 semaphore(%run_scoped3A : memref<!tpu.dma_semaphore, #tpu.memory_space<semaphore_mem>>) src(%arg3 : memref<4096xi32, #tpu.memory_space<hbm>>) dst(%arg10 : memref<4096xi32, #tpu.memory_space<vmem>>)
        tpu.yield
      }) : () -> ()
      "tpu.region"() ({
        %run_scoped3A = tpu.sem_alloc : memref<!tpu.dma_semaphore, #tpu.memory_space<semaphore_mem>>
        tpu.enqueue_dma source(%arg4 : memref<4096xf32, #tpu.memory_space<hbm>>) target(%arg11 : memref<4096xf32, #tpu.memory_space<vmem>>) target_semaphore(%run_scoped3A : memref<!tpu.dma_semaphore, #tpu.memory_space<semaphore_mem>>)
        tpu.wait_dma2 semaphore(%run_scoped3A : memref<!tpu.dma_semaphore, #tpu.memory_space<semaphore_mem>>) src(%arg4 : memref<4096xf32, #tpu.memory_space<hbm>>) dst(%arg11 : memref<4096xf32, #tpu.memory_space<vmem>>)
        tpu.yield
      }) : () -> ()
      "tpu.region"() ({
        %run_scoped3A = tpu.sem_alloc : memref<!tpu.dma_semaphore, #tpu.memory_space<semaphore_mem>>
        tpu.enqueue_dma source(%arg5 : memref<32xi32, #tpu.memory_space<hbm>>) target(%arg12 : memref<32xi32, #tpu.memory_space<vmem>>) target_semaphore(%run_scoped3A : memref<!tpu.dma_semaphore, #tpu.memory_space<semaphore_mem>>)
        tpu.wait_dma2 semaphore(%run_scoped3A : memref<!tpu.dma_semaphore, #tpu.memory_space<semaphore_mem>>) src(%arg5 : memref<32xi32, #tpu.memory_space<hbm>>) dst(%arg12 : memref<32xi32, #tpu.memory_space<vmem>>)
        tpu.yield
      }) : () -> ()
      %broadcast_in_dim3A = arith.constant 0 : i32
      %broadcast_in_dim3A_4 = vector.broadcast %broadcast_in_dim3A : i32 to vector<16xi32>
      %broadcast_in_dim3A_5 = arith.constant 0.000000e+00 : f32
      %broadcast_in_dim3A_6 = vector.broadcast %broadcast_in_dim3A_5 : f32 to vector<16xf32>
      %scan3A = arith.constant 0 : i32
      %scan3A_7 = arith.constant 0 : i32
      %scan3A_8 = arith.constant 768 : i32
      %scan3A_9 = arith.addi %scan3A_7, %scan3A_8 : i32
      %scan3A_10 = arith.constant 1 : i32
      scf.for %scan3A_18 = %scan3A_7 to %scan3A_9 step %scan3A_10  : i32 {
        %mul3A = arith.constant 16 : i32
        %mul3A_19 = arith.muli %scan3A_18, %mul3A : i32
        %swap3A = arith.index_cast %mul3A_19 : i32 to index
        %swap3A_20 = tpu.vector_load %arg13[%swap3A] {strides = array<i32>} : memref<12288xi32, #tpu.memory_space<vmem>>, vector<16xi32>,
        tpu.vector_store %arg13[%swap3A], %broadcast_in_dim3A_4 {strides = array<i32>} : memref<12288xi32, #tpu.memory_space<vmem>>, vector<16xi32>,
        %mul3A_21 = arith.constant 16 : i32
        %mul3A_22 = arith.muli %scan3A_18, %mul3A_21 : i32
        %swap3A_23 = arith.index_cast %mul3A_22 : i32 to index
        %swap3A_24 = tpu.vector_load %arg14[%swap3A_23] {strides = array<i32>} : memref<12288xf32, #tpu.memory_space<vmem>>, vector<16xf32>,
        tpu.vector_store %arg14[%swap3A_23], %broadcast_in_dim3A_6 {strides = array<i32>} : memref<12288xf32, #tpu.memory_space<vmem>>, vector<16xf32>,
      }
      %scan3A_11 = arith.constant 768 : i32
      %iota3A = tpu.iota {dimensions = array<i32: 0>} : vector<16xi32>
      %scan3A_12 = arith.constant 0 : i32
      %scan3A_13 = arith.constant 0 : i32
      %scan3A_14 = arith.constant 256 : i32
      %scan3A_15 = arith.addi %scan3A_13, %scan3A_14 : i32
      %scan3A_16 = arith.constant 1 : i32
      scf.for %scan3A_18 = %scan3A_13 to %scan3A_15 step %scan3A_16  : i32 {
        %mul3A = arith.constant 16 : i32
        %mul3A_19 = arith.muli %scan3A_18, %mul3A : i32
        %get3A = arith.index_cast %mul3A_19 : i32 to index
        %get3A_20 = tpu.vector_load %arg9[%get3A] {strides = array<i32>} : memref<4096xi32, #tpu.memory_space<vmem>>, vector<16xi32>,
        %get3A_21 = arith.index_cast %mul3A_19 : i32 to index
        %get3A_22 = tpu.vector_load %arg10[%get3A_21] {strides = array<i32>} : memref<4096xi32, #tpu.memory_space<vmem>>, vector<16xi32>,
        %get3A_23 = arith.index_cast %mul3A_19 : i32 to index
        %get3A_24 = tpu.vector_load %arg11[%get3A_23] {strides = array<i32>} : memref<4096xf32, #tpu.memory_space<vmem>>, vector<16xf32>,
        %gather3A = tpu.vector_load_idx %arg12[%get3A_20] : memref<32xi32, #tpu.memory_space<vmem>>[vector<16xi32>], vector<16xi32>,
        %add3A = arith.addi %gather3A, %get3A_22 : vector<16xi32>
        %add3A_25 = vector.broadcast %mul3A_19 : i32 to vector<16xi32>
        %add3A_26 = arith.addi %add3A_25, %iota3A : vector<16xi32>
        %shift_right_logical3A = arith.constant 1 : i32
        %shift_right_logical3A_27 = vector.broadcast %shift_right_logical3A : i32 to vector<16xi32>
        %shift_right_logical3A_28 = arith.shrui %add3A_26, %shift_right_logical3A_27 : vector<16xi32>
        tpu.vector_store_idx %arg13[%add3A], %shift_right_logical3A_28 : memref<12288xi32, #tpu.memory_space<vmem>>[vector<16xi32>], vector<16xi32>,
        tpu.vector_store_idx %arg14[%add3A], %get3A_24 : memref<12288xf32, #tpu.memory_space<vmem>>[vector<16xi32>], vector<16xf32>,
        %swap3A = arith.index_cast %mul3A_19 : i32 to index
        %swap3A_29 = tpu.vector_load %arg15[%swap3A] {strides = array<i32>} : memref<4096xi32, #tpu.memory_space<vmem>>, vector<16xi32>,
        tpu.vector_store %arg15[%swap3A], %add3A {strides = array<i32>} : memref<4096xi32, #tpu.memory_space<vmem>>, vector<16xi32>,
      }
      %scan3A_17 = arith.constant 256 : i32
      "tpu.region"() ({
        %run_scoped3A = tpu.sem_alloc : memref<!tpu.dma_semaphore, #tpu.memory_space<semaphore_mem>>
        tpu.enqueue_dma source(%arg13 : memref<12288xi32, #tpu.memory_space<vmem>>) target(%arg6 : memref<12288xi32, #tpu.memory_space<hbm>>) target_semaphore(%run_scoped3A : memref<!tpu.dma_semaphore, #tpu.memory_space<semaphore_mem>>)
        tpu.wait_dma2 semaphore(%run_scoped3A : memref<!tpu.dma_semaphore, #tpu.memory_space<semaphore_mem>>) src(%arg13 : memref<12288xi32, #tpu.memory_space<vmem>>) dst(%arg6 : memref<12288xi32, #tpu.memory_space<hbm>>)
        tpu.yield
      }) : () -> ()
      "tpu.region"() ({
        %run_scoped3A = tpu.sem_alloc : memref<!tpu.dma_semaphore, #tpu.memory_space<semaphore_mem>>
        tpu.enqueue_dma source(%arg14 : memref<12288xf32, #tpu.memory_space<vmem>>) target(%arg7 : memref<12288xf32, #tpu.memory_space<hbm>>) target_semaphore(%run_scoped3A : memref<!tpu.dma_semaphore, #tpu.memory_space<semaphore_mem>>)
        tpu.wait_dma2 semaphore(%run_scoped3A : memref<!tpu.dma_semaphore, #tpu.memory_space<semaphore_mem>>) src(%arg14 : memref<12288xf32, #tpu.memory_space<vmem>>) dst(%arg7 : memref<12288xf32, #tpu.memory_space<hbm>>)
        tpu.yield
      }) : () -> ()
      "tpu.region"() ({
        %run_scoped3A = tpu.sem_alloc : memref<!tpu.dma_semaphore, #tpu.memory_space<semaphore_mem>>
        tpu.enqueue_dma source(%arg15 : memref<4096xi32, #tpu.memory_space<vmem>>) target(%arg8 : memref<4096xi32, #tpu.memory_space<hbm>>) target_semaphore(%run_scoped3A : memref<!tpu.dma_semaphore, #tpu.memory_space<semaphore_mem>>)
        tpu.wait_dma2 semaphore(%run_scoped3A : memref<!tpu.dma_semaphore, #tpu.memory_space<semaphore_mem>>) src(%arg15 : memref<4096xi32, #tpu.memory_space<vmem>>) dst(%arg8 : memref<4096xi32, #tpu.memory_space<hbm>>)
        tpu.yield
      }) : () -> ()
    } else {
    }
    return
  }
}

module attributes {stable_mosaic.version = 14 : i64} {
  func.func @_router_body(%arg0: i32, %arg1: memref<256x2048xf32, #tpu.memory_space<vmem>>, %arg2: memref<128x2048xf32, #tpu.memory_space<vmem>>, %arg3: memref<1x128xf32, #tpu.memory_space<vmem>>, %arg4: memref<1x128xi32, #tpu.memory_space<vmem>>, %arg5: memref<1x256x2xi32, #tpu.memory_space<vmem>>, %arg6: memref<1x256x2xi32, #tpu.memory_space<vmem>>, %arg7: memref<1x256x2xf32, #tpu.memory_space<vmem>>, %arg8: memref<1x1x128xi32, #tpu.memory_space<vmem>>, %arg9: memref<1x48x1xi32, #tpu.memory_space<vmem>>, %arg10: memref<1x1x8xi32, #tpu.memory_space<vmem>>, %arg11: memref<1x128xf32, #tpu.memory_space<vmem>>) attributes {dimension_semantics = [#tpu.dimension_semantics<arbitrary>], iteration_bounds = array<i64: 8>, scalar_prefetch = 0 : i64, scratch_operands = 1 : i64, tpu.core_type = #tpu.core_type<tc>, window_params = [{transform_indices = @transform_0, window_bounds = array<i64: 256, 2048>}, {pipeline_mode = #tpu.pipeline_mode<synchronous>, transform_indices = @transform_1, window_bounds = array<i64: 128, 2048>}, {pipeline_mode = #tpu.pipeline_mode<synchronous>, transform_indices = @transform_2, window_bounds = array<i64: 1, 128>}, {pipeline_mode = #tpu.pipeline_mode<synchronous>, transform_indices = @transform_3, window_bounds = array<i64: 1, 128>}, {transform_indices = @transform_4, window_bounds = array<i64: 1, 256, 2>}, {transform_indices = @transform_5, window_bounds = array<i64: 1, 256, 2>}, {transform_indices = @transform_6, window_bounds = array<i64: 1, 256, 2>}, {pipeline_mode = #tpu.pipeline_mode<synchronous>, transform_indices = @transform_7, window_bounds = array<i64: 1, 1, 128>}, {pipeline_mode = #tpu.pipeline_mode<synchronous>, transform_indices = @transform_8, window_bounds = array<i64: 1, 48, 1>}, {pipeline_mode = #tpu.pipeline_mode<synchronous>, transform_indices = @transform_9, window_bounds = array<i64: 1, 1, 8>}]} {
    %eq3A = arith.constant 0 : i32
    %eq3A_0 = arith.cmpi eq, %arg0, %eq3A : i32
    %convert_element_type3A = arith.extui %eq3A_0 : i1 to i32
    %cond3A = arith.constant 0 : i32
    %cond3A_1 = arith.cmpi ne, %convert_element_type3A, %cond3A : i32
    scf.if %cond3A_1 {
      %broadcast_in_dim3A_173 = arith.constant 0.000000e+00 : f32
      %broadcast_in_dim3A_174 = vector.broadcast %broadcast_in_dim3A_173 : f32 to vector<1x128xf32>
      %swap3A_175 = arith.constant 0 : index
      %swap3A_176 = arith.constant 0 : index
      %swap3A_177 = vector.load %arg11[%swap3A_175, %swap3A_176] : memref<1x128xf32, #tpu.memory_space<vmem>>, vector<1x128xf32>
      tpu.vector_store %arg11[%swap3A_175, %swap3A_176], %broadcast_in_dim3A_174 {strides = array<i32>} : memref<1x128xf32, #tpu.memory_space<vmem>>, vector<1x128xf32>,
    } else {
    }
    %get3A = arith.constant 0 : index
    %get3A_2 = arith.constant 0 : index
    %get3A_3 = vector.load %arg1[%get3A, %get3A_2] : memref<256x2048xf32, #tpu.memory_space<vmem>>, vector<256x2048xf32>
    %get3A_4 = arith.constant 0 : index
    %get3A_5 = arith.constant 0 : index
    %get3A_6 = vector.load %arg2[%get3A_4, %get3A_5] : memref<128x2048xf32, #tpu.memory_space<vmem>>, vector<128x2048xf32>
    %dot_general3A = arith.constant dense<0.000000e+00> : vector<256x128xf32>
    %dot_general3A_7 = tpu.matmul %get3A_3, %get3A_6, %dot_general3A {dimension_numbers = #tpu.dot_dimension_numbers<[1], [1], [0], [0], [0, 0, 1, 0], [], []>, transpose_lhs_hint = false} : vector<256x2048xf32>, vector<128x2048xf32>, vector<256x128xf32> -> vector<256x128xf32>
    %get3A_8 = arith.constant 0 : index
    %get3A_9 = arith.constant 0 : index
    %get3A_10 = vector.load %arg3[%get3A_8, %get3A_9] : memref<1x128xf32, #tpu.memory_space<vmem>>, vector<1x128xf32>
    %add3A = vector.broadcast %get3A_10 : vector<1x128xf32> to vector<256x128xf32>
    %add3A_11 = arith.addf %dot_general3A_7, %add3A : vector<256x128xf32>
    %iota3A = tpu.iota {dimensions = array<i32: 1>} : vector<256x128xi32>
    %reduce_max3A = arith.constant dense<0xFF800000> : vector<256xf32>
    %reduce_max3A_12 = vector.multi_reduction <maximumf>, %add3A_11, %reduce_max3A [1] : vector<256x128xf32> to vector<256xf32>
    %broadcast_in_dim3A = vector.shape_cast %reduce_max3A_12 : vector<256xf32> to vector<256x1xf32>
    %eq3A_13 = vector.broadcast %broadcast_in_dim3A : vector<256x1xf32> to vector<256x128xf32>
    %eq3A_14 = arith.cmpf oeq, %add3A_11, %eq3A_13 : vector<256x128xf32>
    %jit3A = arith.constant 128 : i32
    %broadcast_in_dim3A_15 = vector.broadcast %jit3A : i32 to vector<256x128xi32>
    %select_n3A = arith.select %eq3A_14, %iota3A, %broadcast_in_dim3A_15 : vector<256x128xi1>, vector<256x128xi32>
    %reduce_min3A = arith.constant dense<2147483647> : vector<256xi32>
    %reduce_min3A_16 = vector.multi_reduction <minsi>, %select_n3A, %reduce_min3A [1] : vector<256x128xi32> to vector<256xi32>
    %broadcast_in_dim3A_17 = vector.shape_cast %reduce_min3A_16 : vector<256xi32> to vector<256x1xi32>
    %eq3A_18 = vector.broadcast %broadcast_in_dim3A_17 : vector<256x1xi32> to vector<256x128xi32>
    %eq3A_19 = arith.cmpi eq, %iota3A, %eq3A_18 : vector<256x128xi32>
    %jit3A_20 = arith.constant -1.000000e+30 : f32
    %broadcast_in_dim3A_21 = vector.broadcast %jit3A_20 : f32 to vector<256x128xf32>
    %select_n3A_22 = arith.select %eq3A_19, %broadcast_in_dim3A_21, %add3A_11 : vector<256x128xi1>, vector<256x128xf32>
    %reduce_max3A_23 = arith.constant dense<0xFF800000> : vector<256xf32>
    %reduce_max3A_24 = vector.multi_reduction <maximumf>, %select_n3A_22, %reduce_max3A_23 [1] : vector<256x128xf32> to vector<256xf32>
    %broadcast_in_dim3A_25 = vector.shape_cast %reduce_max3A_24 : vector<256xf32> to vector<256x1xf32>
    %eq3A_26 = vector.broadcast %broadcast_in_dim3A_25 : vector<256x1xf32> to vector<256x128xf32>
    %eq3A_27 = arith.cmpf oeq, %select_n3A_22, %eq3A_26 : vector<256x128xf32>
    %jit3A_28 = arith.constant 128 : i32
    %broadcast_in_dim3A_29 = vector.broadcast %jit3A_28 : i32 to vector<256x128xi32>
    %select_n3A_30 = arith.select %eq3A_27, %iota3A, %broadcast_in_dim3A_29 : vector<256x128xi1>, vector<256x128xi32>
    %reduce_min3A_31 = arith.constant dense<2147483647> : vector<256xi32>
    %reduce_min3A_32 = vector.multi_reduction <minsi>, %select_n3A_30, %reduce_min3A_31 [1] : vector<256x128xi32> to vector<256xi32>
    %broadcast_in_dim3A_33 = vector.shape_cast %reduce_min3A_32 : vector<256xi32> to vector<256x1xi32>
    %sub3A = arith.subf %broadcast_in_dim3A, %broadcast_in_dim3A_25 : vector<256x1xf32>
    %logistic3A = arith.negf %sub3A : vector<256x1xf32>
    %logistic3A_34 = math.exp %logistic3A : vector<256x1xf32>
    %logistic3A_35 = arith.constant 1.000000e+00 : f32
    %logistic3A_36 = vector.broadcast %logistic3A_35 : f32 to vector<256x1xf32>
    %logistic3A_37 = arith.addf %logistic3A_36, %logistic3A_34 : vector<256x1xf32>
    %logistic3A_38 = arith.divf %logistic3A_36, %logistic3A_37 : vector<256x1xf32>
    %sub3A_39 = arith.subf %broadcast_in_dim3A_25, %broadcast_in_dim3A : vector<256x1xf32>
    %logistic3A_40 = arith.negf %sub3A_39 : vector<256x1xf32>
    %logistic3A_41 = math.exp %logistic3A_40 : vector<256x1xf32>
    %logistic3A_42 = arith.constant 1.000000e+00 : f32
    %logistic3A_43 = vector.broadcast %logistic3A_42 : f32 to vector<256x1xf32>
    %logistic3A_44 = arith.addf %logistic3A_43, %logistic3A_41 : vector<256x1xf32>
    %logistic3A_45 = arith.divf %logistic3A_43, %logistic3A_44 : vector<256x1xf32>
    %get3A_46 = arith.constant 0 : index
    %get3A_47 = arith.constant 0 : index
    %get3A_48 = vector.load %arg4[%get3A_46, %get3A_47] : memref<1x128xi32, #tpu.memory_space<vmem>>, vector<1x128xi32>
    %eq3A_49 = vector.broadcast %broadcast_in_dim3A_17 : vector<256x1xi32> to vector<256x128xi32>
    %eq3A_50 = arith.cmpi eq, %iota3A, %eq3A_49 : vector<256x128xi32>
    %jit3A_51 = arith.constant 0 : i32
    %broadcast_in_dim3A_52 = vector.shape_cast %get3A_48 : vector<1x128xi32> to vector<1x128xi32>
    %broadcast_in_dim3A_53 = vector.broadcast %broadcast_in_dim3A_52 : vector<1x128xi32> to vector<256x128xi32>
    %broadcast_in_dim3A_54 = vector.broadcast %jit3A_51 : i32 to vector<256x128xi32>
    %select_n3A_55 = arith.select %eq3A_50, %broadcast_in_dim3A_53, %broadcast_in_dim3A_54 : vector<256x128xi1>, vector<256x128xi32>
    %reduce_sum3A = arith.constant dense<0> : vector<256xi32>
    %reduce_sum3A_56 = vector.multi_reduction <add>, %select_n3A_55, %reduce_sum3A [1] : vector<256x128xi32> to vector<256xi32>
    %broadcast_in_dim3A_57 = vector.shape_cast %reduce_sum3A_56 : vector<256xi32> to vector<256x1xi32>
    %eq3A_58 = vector.broadcast %broadcast_in_dim3A_33 : vector<256x1xi32> to vector<256x128xi32>
    %eq3A_59 = arith.cmpi eq, %iota3A, %eq3A_58 : vector<256x128xi32>
    %jit3A_60 = arith.constant 0 : i32
    %broadcast_in_dim3A_61 = vector.shape_cast %get3A_48 : vector<1x128xi32> to vector<1x128xi32>
    %broadcast_in_dim3A_62 = vector.broadcast %broadcast_in_dim3A_61 : vector<1x128xi32> to vector<256x128xi32>
    %broadcast_in_dim3A_63 = vector.broadcast %jit3A_60 : i32 to vector<256x128xi32>
    %select_n3A_64 = arith.select %eq3A_59, %broadcast_in_dim3A_62, %broadcast_in_dim3A_63 : vector<256x128xi1>, vector<256x128xi32>
    %reduce_sum3A_65 = arith.constant dense<0> : vector<256xi32>
    %reduce_sum3A_66 = vector.multi_reduction <add>, %select_n3A_64, %reduce_sum3A_65 [1] : vector<256x128xi32> to vector<256xi32>
    %broadcast_in_dim3A_67 = vector.shape_cast %reduce_sum3A_66 : vector<256xi32> to vector<256x1xi32>
    %eq3A_68 = vector.broadcast %broadcast_in_dim3A_57 : vector<256x1xi32> to vector<256x128xi32>
    %eq3A_69 = arith.cmpi eq, %iota3A, %eq3A_68 : vector<256x128xi32>
    %convert_element_type3A_70 = arith.extui %eq3A_69 : vector<256x128xi1> to vector<256x128xi32>
    %convert_element_type3A_71 = arith.sitofp %convert_element_type3A_70 : vector<256x128xi32> to vector<256x128xf32>
    %eq3A_72 = vector.broadcast %broadcast_in_dim3A_67 : vector<256x1xi32> to vector<256x128xi32>
    %eq3A_73 = arith.cmpi eq, %iota3A, %eq3A_72 : vector<256x128xi32>
    %convert_element_type3A_74 = arith.extui %eq3A_73 : vector<256x128xi1> to vector<256x128xi32>
    %convert_element_type3A_75 = arith.sitofp %convert_element_type3A_74 : vector<256x128xi32> to vector<256x128xf32>
    %add3A_76 = arith.addf %convert_element_type3A_71, %convert_element_type3A_75 : vector<256x128xf32>
    %iota3A_77 = tpu.iota {dimensions = array<i32: 0>} : vector<256x256xi32>
    %iota3A_78 = tpu.iota {dimensions = array<i32: 1>} : vector<256x256xi32>
    %gt3A = arith.cmpi sgt, %iota3A_77, %iota3A_78 : vector<256x256xi32>
    %convert_element_type3A_79 = arith.extui %gt3A : vector<256x256xi1> to vector<256x256xi32>
    %convert_element_type3A_80 = arith.sitofp %convert_element_type3A_79 : vector<256x256xi32> to vector<256x256xf32>
    %dot_general3A_81 = arith.constant dense<0.000000e+00> : vector<256x128xf32>
    %dot_general3A_82 = tpu.matmul %convert_element_type3A_80, %add3A_76, %dot_general3A_81 {dimension_numbers = #tpu.dot_dimension_numbers<[1], [0], [0], [1], [0, 0, 1, 1], [], []>, transpose_lhs_hint = false} : vector<256x256xf32>, vector<256x128xf32>, vector<256x128xf32> -> vector<256x128xf32>
    %get3A_83 = arith.constant 0 : index
    %get3A_84 = arith.constant 0 : index
    %get3A_85 = vector.load %arg11[%get3A_83, %get3A_84] : memref<1x128xf32, #tpu.memory_space<vmem>>, vector<1x128xf32>
    %add3A_86 = vector.broadcast %get3A_85 : vector<1x128xf32> to vector<256x128xf32>
    %add3A_87 = arith.addf %dot_general3A_82, %add3A_86 : vector<256x128xf32>
    %mul3A = arith.mulf %convert_element_type3A_71, %add3A_87 : vector<256x128xf32>
    %reduce_sum3A_88 = arith.constant dense<0.000000e+00> : vector<256xf32>
    %reduce_sum3A_89 = vector.multi_reduction <add>, %mul3A, %reduce_sum3A_88 [1] : vector<256x128xf32> to vector<256xf32>
    %broadcast_in_dim3A_90 = vector.shape_cast %reduce_sum3A_89 : vector<256xf32> to vector<256x1xf32>
    %mul3A_91 = arith.mulf %convert_element_type3A_75, %add3A_87 : vector<256x128xf32>
    %reduce_sum3A_92 = arith.constant dense<0.000000e+00> : vector<256xf32>
    %reduce_sum3A_93 = vector.multi_reduction <add>, %mul3A_91, %reduce_sum3A_92 [1] : vector<256x128xf32> to vector<256xf32>
    %broadcast_in_dim3A_94 = vector.shape_cast %reduce_sum3A_93 : vector<256xf32> to vector<256x1xf32>
    %reduce_sum3A_95 = arith.constant dense<0.000000e+00> : vector<128xf32>
    %reduce_sum3A_96 = vector.multi_reduction <add>, %add3A_76, %reduce_sum3A_95 [0] : vector<256x128xf32> to vector<128xf32>
    %broadcast_in_dim3A_97 = vector.shape_cast %reduce_sum3A_96 : vector<128xf32> to vector<1x128xf32>
    %add3A_98 = arith.addf %get3A_85, %broadcast_in_dim3A_97 : vector<1x128xf32>
    %swap3A = arith.constant 0 : index
    %swap3A_99 = arith.constant 0 : index
    %swap3A_100 = vector.load %arg11[%swap3A, %swap3A_99] : memref<1x128xf32, #tpu.memory_space<vmem>>, vector<1x128xf32>
    tpu.vector_store %arg11[%swap3A, %swap3A_99], %add3A_98 {strides = array<i32>} : memref<1x128xf32, #tpu.memory_space<vmem>>, vector<1x128xf32>,
    %concatenate3A = tpu.concatenate %broadcast_in_dim3A_57, %broadcast_in_dim3A_67 in 1 : vector<256x1xi32>, vector<256x1xi32> -> vector<256x2xi32>
    %swap3A_101 = arith.constant 0 : index
    %swap3A_102 = arith.constant 0 : index
    %swap3A_103 = arith.constant 0 : index
    %swap3A_104 = vector.load %arg5[%swap3A_101, %swap3A_102, %swap3A_103] : memref<1x256x2xi32, #tpu.memory_space<vmem>>, vector<1x256x2xi32>
    %swap3A_105 = vector.shape_cast %swap3A_104 : vector<1x256x2xi32> to vector<256x2xi32>
    %swap3A_106 = vector.shape_cast %concatenate3A : vector<256x2xi32> to vector<1x256x2xi32>
    tpu.vector_store %arg5[%swap3A_101, %swap3A_102, %swap3A_103], %swap3A_106 {strides = array<i32>} : memref<1x256x2xi32, #tpu.memory_space<vmem>>, vector<1x256x2xi32>,
    %concatenate3A_107 = tpu.concatenate %broadcast_in_dim3A_90, %broadcast_in_dim3A_94 in 1 : vector<256x1xf32>, vector<256x1xf32> -> vector<256x2xf32>
    %convert_element_type3A_108 = arith.fptosi %concatenate3A_107 : vector<256x2xf32> to vector<256x2xi32>
    %swap3A_109 = arith.constant 0 : index
    %swap3A_110 = arith.constant 0 : index
    %swap3A_111 = arith.constant 0 : index
    %swap3A_112 = vector.load %arg6[%swap3A_109, %swap3A_110, %swap3A_111] : memref<1x256x2xi32, #tpu.memory_space<vmem>>, vector<1x256x2xi32>
    %swap3A_113 = vector.shape_cast %swap3A_112 : vector<1x256x2xi32> to vector<256x2xi32>
    %swap3A_114 = vector.shape_cast %convert_element_type3A_108 : vector<256x2xi32> to vector<1x256x2xi32>
    tpu.vector_store %arg6[%swap3A_109, %swap3A_110, %swap3A_111], %swap3A_114 {strides = array<i32>} : memref<1x256x2xi32, #tpu.memory_space<vmem>>, vector<1x256x2xi32>,
    %concatenate3A_115 = tpu.concatenate %logistic3A_38, %logistic3A_45 in 1 : vector<256x1xf32>, vector<256x1xf32> -> vector<256x2xf32>
    %swap3A_116 = arith.constant 0 : index
    %swap3A_117 = arith.constant 0 : index
    %swap3A_118 = arith.constant 0 : index
    %swap3A_119 = vector.load %arg7[%swap3A_116, %swap3A_117, %swap3A_118] : memref<1x256x2xf32, #tpu.memory_space<vmem>>, vector<1x256x2xf32>
    %swap3A_120 = vector.shape_cast %swap3A_119 : vector<1x256x2xf32> to vector<256x2xf32>
    %swap3A_121 = vector.shape_cast %concatenate3A_115 : vector<256x2xf32> to vector<1x256x2xf32>
    tpu.vector_store %arg7[%swap3A_116, %swap3A_117, %swap3A_118], %swap3A_121 {strides = array<i32>} : memref<1x256x2xf32, #tpu.memory_space<vmem>>, vector<1x256x2xf32>,
    %get3A_122 = arith.constant 0 : index
    %get3A_123 = arith.constant 0 : index
    %get3A_124 = vector.load %arg11[%get3A_122, %get3A_123] : memref<1x128xf32, #tpu.memory_space<vmem>>, vector<1x128xf32>
    %div3A = arith.constant 2.560000e+02 : f32
    %div3A_125 = vector.broadcast %div3A : f32 to vector<1x128xf32>
    %div3A_126 = arith.divf %get3A_124, %div3A_125 : vector<1x128xf32>
    %ceil3A = math.ceil %div3A_126 : vector<1x128xf32>
    %mul3A_127 = arith.constant 2.560000e+02 : f32
    %mul3A_128 = vector.broadcast %mul3A_127 : f32 to vector<1x128xf32>
    %mul3A_129 = arith.mulf %ceil3A, %mul3A_128 : vector<1x128xf32>
    %iota3A_130 = tpu.iota {dimensions = array<i32: 0>} : vector<128x128xi32>
    %iota3A_131 = tpu.iota {dimensions = array<i32: 1>} : vector<128x128xi32>
    %lt3A = arith.cmpi slt, %iota3A_130, %iota3A_131 : vector<128x128xi32>
    %convert_element_type3A_132 = arith.extui %lt3A : vector<128x128xi1> to vector<128x128xi32>
    %convert_element_type3A_133 = arith.sitofp %convert_element_type3A_132 : vector<128x128xi32> to vector<128x128xf32>
    %dot_general3A_134 = arith.constant dense<0.000000e+00> : vector<1x128xf32>
    %dot_general3A_135 = tpu.matmul %mul3A_129, %convert_element_type3A_133, %dot_general3A_134 {dimension_numbers = #tpu.dot_dimension_numbers<[1], [0], [0], [1], [0, 0, 1, 1], [], []>, transpose_lhs_hint = false} : vector<1x128xf32>, vector<128x128xf32>, vector<1x128xf32> -> vector<1x128xf32>
    %add3A_136 = arith.addf %dot_general3A_135, %mul3A_129 : vector<1x128xf32>
    %reduce_sum3A_137 = vector.shape_cast %mul3A_129 : vector<1x128xf32> to vector<1x1x128xf32>
    %reduce_sum3A_138 = arith.constant dense<0.000000e+00> : vector<1xf32>
    %reduce_sum3A_139 = vector.multi_reduction <add>, %reduce_sum3A_137, %reduce_sum3A_138 [1, 2] : vector<1x1x128xf32> to vector<1xf32>
    %reduce_sum3A_140 = vector.shape_cast %reduce_sum3A_139 : vector<1xf32> to vector<1x1x1xf32>
    %reduce_sum3A_141 = vector.extract %reduce_sum3A_140[0, 0, 0] : f32 from vector<1x1x1xf32>
    %div3A_142 = arith.constant 2.560000e+02 : f32
    %div3A_143 = arith.divf %reduce_sum3A_141, %div3A_142 : f32
    %convert_element_type3A_144 = arith.fptosi %div3A_143 : f32 to i32
    %iota3A_145 = tpu.iota {dimensions = array<i32: 0>} : vector<48x128xi32>
    %mul3A_146 = arith.constant 256 : i32
    %mul3A_147 = vector.broadcast %mul3A_146 : i32 to vector<48x128xi32>
    %mul3A_148 = arith.muli %iota3A_145, %mul3A_147 : vector<48x128xi32>
    %convert_element_type3A_149 = arith.sitofp %mul3A_148 : vector<48x128xi32> to vector<48x128xf32>
    %le3A = vector.broadcast %add3A_136 : vector<1x128xf32> to vector<48x128xf32>
    %le3A_150 = arith.cmpf ole, %le3A, %convert_element_type3A_149 : vector<48x128xf32>
    %convert_element_type3A_151 = arith.extui %le3A_150 : vector<48x128xi1> to vector<48x128xi32>
    %reduce_sum3A_152 = arith.constant dense<0> : vector<48xi32>
    %reduce_sum3A_153 = vector.multi_reduction <add>, %convert_element_type3A_151, %reduce_sum3A_152 [1] : vector<48x128xi32> to vector<48xi32>
    %broadcast_in_dim3A_154 = vector.shape_cast %reduce_sum3A_153 : vector<48xi32> to vector<48x1xi32>
    %min3A = arith.constant 31 : i32
    %min3A_155 = vector.broadcast %min3A : i32 to vector<48x1xi32>
    %min3A_156 = arith.minsi %broadcast_in_dim3A_154, %min3A_155 : vector<48x1xi32>
    %convert_element_type3A_157 = arith.fptosi %dot_general3A_135 : vector<1x128xf32> to vector<1x128xi32>
    %reshape3A = vector.shape_cast %convert_element_type3A_157 : vector<1x128xi32> to vector<1x1x128xi32>
    %swap3A_158 = arith.constant 0 : index
    %swap3A_159 = arith.constant 0 : index
    %swap3A_160 = arith.constant 0 : index
    %swap3A_161 = vector.load %arg8[%swap3A_158, %swap3A_159, %swap3A_160] : memref<1x1x128xi32, #tpu.memory_space<vmem>>, vector<1x1x128xi32>
    tpu.vector_store %arg8[%swap3A_158, %swap3A_159, %swap3A_160], %reshape3A {strides = array<i32>} : memref<1x1x128xi32, #tpu.memory_space<vmem>>, vector<1x1x128xi32>,
    %swap3A_162 = arith.constant 0 : index
    %swap3A_163 = arith.constant 0 : index
    %swap3A_164 = arith.constant 0 : index
    %swap3A_165 = vector.load %arg9[%swap3A_162, %swap3A_163, %swap3A_164] : memref<1x48x1xi32, #tpu.memory_space<vmem>>, vector<1x48x1xi32>
    %swap3A_166 = vector.shape_cast %swap3A_165 : vector<1x48x1xi32> to vector<48x1xi32>
    %swap3A_167 = vector.shape_cast %min3A_156 : vector<48x1xi32> to vector<1x48x1xi32>
    tpu.vector_store %arg9[%swap3A_162, %swap3A_163, %swap3A_164], %swap3A_167 {strides = array<i32>} : memref<1x48x1xi32, #tpu.memory_space<vmem>>, vector<1x48x1xi32>,
    %broadcast_in_dim3A_168 = vector.broadcast %convert_element_type3A_144 : i32 to vector<1x1x8xi32>
    %swap3A_169 = arith.constant 0 : index
    %swap3A_170 = arith.constant 0 : index
    %swap3A_171 = arith.constant 0 : index
    %swap3A_172 = vector.load %arg10[%swap3A_169, %swap3A_170, %swap3A_171] : memref<1x1x8xi32, #tpu.memory_space<vmem>>, vector<1x1x8xi32>
    tpu.vector_store %arg10[%swap3A_169, %swap3A_170, %swap3A_171], %broadcast_in_dim3A_168 {strides = array<i32>} : memref<1x1x8xi32, #tpu.memory_space<vmem>>, vector<1x1x8xi32>,
    return
  }
  func.func @transform_0(%arg0: i32) -> (i32, i32) {
    %c0_i32 = arith.constant 0 : i32
    %c0_i32_0 = arith.constant 0 : i32
    return %arg0, %c0_i32 : i32, i32
  }
  func.func @transform_1(%arg0: i32) -> (i32, i32) {
    %c0_i32 = arith.constant 0 : i32
    %c0_i32_0 = arith.constant 0 : i32
    %c0_i32_1 = arith.constant 0 : i32
    return %c0_i32, %c0_i32_0 : i32, i32
  }
  func.func @transform_2(%arg0: i32) -> (i32, i32) {
    %c0_i32 = arith.constant 0 : i32
    %c0_i32_0 = arith.constant 0 : i32
    %c0_i32_1 = arith.constant 0 : i32
    return %c0_i32, %c0_i32_0 : i32, i32
  }
  func.func @transform_3(%arg0: i32) -> (i32, i32) {
    %c0_i32 = arith.constant 0 : i32
    %c0_i32_0 = arith.constant 0 : i32
    %c0_i32_1 = arith.constant 0 : i32
    return %c0_i32, %c0_i32_0 : i32, i32
  }
  func.func @transform_4(%arg0: i32) -> (i32, i32, i32) {
    %c0_i32 = arith.constant 0 : i32
    %c0_i32_0 = arith.constant 0 : i32
    %c0_i32_1 = arith.constant 0 : i32
    return %arg0, %c0_i32, %c0_i32_0 : i32, i32, i32
  }
  func.func @transform_5(%arg0: i32) -> (i32, i32, i32) {
    %c0_i32 = arith.constant 0 : i32
    %c0_i32_0 = arith.constant 0 : i32
    %c0_i32_1 = arith.constant 0 : i32
    return %arg0, %c0_i32, %c0_i32_0 : i32, i32, i32
  }
  func.func @transform_6(%arg0: i32) -> (i32, i32, i32) {
    %c0_i32 = arith.constant 0 : i32
    %c0_i32_0 = arith.constant 0 : i32
    %c0_i32_1 = arith.constant 0 : i32
    return %arg0, %c0_i32, %c0_i32_0 : i32, i32, i32
  }
  func.func @transform_7(%arg0: i32) -> (i32, i32, i32) {
    %c0_i32 = arith.constant 0 : i32
    %c0_i32_0 = arith.constant 0 : i32
    %c0_i32_1 = arith.constant 0 : i32
    %c0_i32_2 = arith.constant 0 : i32
    return %c0_i32, %c0_i32_0, %c0_i32_1 : i32, i32, i32
  }
  func.func @transform_8(%arg0: i32) -> (i32, i32, i32) {
    %c0_i32 = arith.constant 0 : i32
    %c0_i32_0 = arith.constant 0 : i32
    %c0_i32_1 = arith.constant 0 : i32
    %c0_i32_2 = arith.constant 0 : i32
    return %c0_i32, %c0_i32_0, %c0_i32_1 : i32, i32, i32
  }
  func.func @transform_9(%arg0: i32) -> (i32, i32, i32) {
    %c0_i32 = arith.constant 0 : i32
    %c0_i32_0 = arith.constant 0 : i32
    %c0_i32_1 = arith.constant 0 : i32
    %c0_i32_2 = arith.constant 0 : i32
    return %c0_i32, %c0_i32_0, %c0_i32_1 : i32, i32, i32
  }
}

module attributes {stable_mosaic.version = 14 : i64} {
  func.func @_mlp_body(%arg0: i32, %arg1: memref<48xi32, #tpu.memory_space<smem>>, %arg2: memref<1xi32, #tpu.memory_space<smem>>, %arg3: memref<2048x2048xbf16, #tpu.memory_space<vmem>>, %arg4: memref<1x1x256xi32, #tpu.memory_space<vmem>>, %arg5: memref<1x1536x2048xf32, #tpu.memory_space<vmem>>, %arg6: memref<1x2048x768xf32, #tpu.memory_space<vmem>>, %arg7: memref<1x1x256xf32, #tpu.memory_space<vmem>>, %arg8: memref<2048x2048xf32, #tpu.memory_space<vmem>>) attributes {dimension_semantics = [#tpu.dimension_semantics<arbitrary>], iteration_bounds = array<i64: 48>, scalar_prefetch = 2 : i64, scratch_operands = 0 : i64, tpu.core_type = #tpu.core_type<tc>, window_params = [{pipeline_mode = #tpu.pipeline_mode<synchronous>, transform_indices = @transform_0, window_bounds = array<i64: 2048, 2048>}, {transform_indices = @transform_1, window_bounds = array<i64: 1, 1, 256>}, {transform_indices = @transform_2, window_bounds = array<i64: 1, 1536, 2048>}, {transform_indices = @transform_3, window_bounds = array<i64: 1, 2048, 768>}, {transform_indices = @transform_4, window_bounds = array<i64: 1, 1, 256>}, {pipeline_mode = #tpu.pipeline_mode<synchronous>, transform_indices = @transform_5, window_bounds = array<i64: 2048, 2048>}]} {
    %get3A = arith.constant 0 : index
    %get3A_0 = memref.load %arg2[%get3A] : memref<1xi32, #tpu.memory_space<smem>>
    %eq3A = arith.constant 0 : i32
    %eq3A_1 = arith.cmpi eq, %arg0, %eq3A : i32
    %convert_element_type3A = arith.extui %eq3A_1 : i1 to i32
    %cond3A = arith.constant 0 : i32
    %cond3A_2 = arith.cmpi ne, %convert_element_type3A, %cond3A : i32
    scf.if %cond3A_2 {
      %broadcast_in_dim3A = arith.constant 0.000000e+00 : f32
      %broadcast_in_dim3A_6 = vector.broadcast %broadcast_in_dim3A : f32 to vector<2048x2048xf32>
      %swap3A = arith.constant 0 : index
      %swap3A_7 = arith.constant 0 : index
      %swap3A_8 = vector.load %arg8[%swap3A, %swap3A_7] : memref<2048x2048xf32, #tpu.memory_space<vmem>>, vector<2048x2048xf32>
      tpu.vector_store %arg8[%swap3A, %swap3A_7], %broadcast_in_dim3A_6 {strides = array<i32>} : memref<2048x2048xf32, #tpu.memory_space<vmem>>, vector<2048x2048xf32>,
    } else {
    }
    %lt3A = arith.cmpi slt, %arg0, %get3A_0 : i32
    %convert_element_type3A_3 = arith.extui %lt3A : i1 to i32
    %cond3A_4 = arith.constant 0 : i32
    %cond3A_5 = arith.cmpi ne, %convert_element_type3A_3, %cond3A_4 : i32
    scf.if %cond3A_5 {
      %get3A_6 = arith.constant 0 : index
      %get3A_7 = arith.constant 0 : index
      %get3A_8 = arith.constant 0 : index
      %get3A_9 = vector.load %arg4[%get3A_6, %get3A_7, %get3A_8] : memref<1x1x256xi32, #tpu.memory_space<vmem>>, vector<1x1x256xi32>
      %get3A_10 = vector.shape_cast %get3A_9 : vector<1x1x256xi32> to vector<1x256xi32>
      %iota3A = tpu.iota {dimensions = array<i32: 0>} : vector<2048x256xi32>
      %eq3A_11 = vector.broadcast %get3A_10 : vector<1x256xi32> to vector<2048x256xi32>
      %eq3A_12 = arith.cmpi eq, %iota3A, %eq3A_11 : vector<2048x256xi32>
      %convert_element_type3A_13 = arith.extui %eq3A_12 : vector<2048x256xi1> to vector<2048x256xi32>
      %convert_element_type3A_14 = arith.sitofp %convert_element_type3A_13 : vector<2048x256xi32> to vector<2048x256xf32>
      %convert_element_type3A_15 = arith.truncf %convert_element_type3A_14 : vector<2048x256xf32> to vector<2048x256xbf16>
      %get3A_16 = arith.constant 0 : index
      %get3A_17 = arith.constant 0 : index
      %get3A_18 = vector.load %arg3[%get3A_16, %get3A_17] : memref<2048x2048xbf16, #tpu.memory_space<vmem>>, vector<2048x2048xbf16>
      %dot_general3A = arith.constant dense<0.000000e+00> : vector<256x2048xf32>
      %dot_general3A_19 = tpu.matmul %convert_element_type3A_15, %get3A_18, %dot_general3A {dimension_numbers = #tpu.dot_dimension_numbers<[0], [0], [1], [1], [0, 1, 1, 1], [], []>, transpose_lhs_hint = false} : vector<2048x256xbf16>, vector<2048x2048xbf16>, vector<256x2048xf32> -> vector<256x2048xf32>
      %convert_element_type3A_20 = arith.truncf %dot_general3A_19 : vector<256x2048xf32> to vector<256x2048xbf16>
      %get3A_21 = arith.constant 0 : index
      %get3A_22 = arith.constant 0 : index
      %get3A_23 = arith.constant 0 : index
      %get3A_24 = vector.load %arg5[%get3A_21, %get3A_22, %get3A_23] : memref<1x1536x2048xf32, #tpu.memory_space<vmem>>, vector<1x1536x2048xf32>
      %get3A_25 = vector.shape_cast %get3A_24 : vector<1x1536x2048xf32> to vector<1536x2048xf32>
      %convert_element_type3A_26 = arith.truncf %get3A_25 : vector<1536x2048xf32> to vector<1536x2048xbf16>
      %dot_general3A_27 = arith.constant dense<0.000000e+00> : vector<256x1536xf32>
      %dot_general3A_28 = tpu.matmul %convert_element_type3A_20, %convert_element_type3A_26, %dot_general3A_27 {dimension_numbers = #tpu.dot_dimension_numbers<[1], [1], [0], [0], [0, 0, 1, 0], [], []>, transpose_lhs_hint = false} : vector<256x2048xbf16>, vector<1536x2048xbf16>, vector<256x1536xf32> -> vector<256x1536xf32>
      %slice3A = vector.extract_strided_slice %dot_general3A_28 {offsets = [0, 0], sizes = [256, 768], strides = [1, 1]} : vector<256x1536xf32> to vector<256x768xf32>
      %slice3A_29 = vector.extract_strided_slice %dot_general3A_28 {offsets = [0, 768], sizes = [256, 768], strides = [1, 1]} : vector<256x1536xf32> to vector<256x768xf32>
      %logistic3A = arith.negf %slice3A : vector<256x768xf32>
      %logistic3A_30 = math.exp %logistic3A : vector<256x768xf32>
      %logistic3A_31 = arith.constant 1.000000e+00 : f32
      %logistic3A_32 = vector.broadcast %logistic3A_31 : f32 to vector<256x768xf32>
      %logistic3A_33 = arith.addf %logistic3A_32, %logistic3A_30 : vector<256x768xf32>
      %logistic3A_34 = arith.divf %logistic3A_32, %logistic3A_33 : vector<256x768xf32>
      %mul3A = arith.mulf %slice3A, %logistic3A_34 : vector<256x768xf32>
      %mul3A_35 = arith.mulf %mul3A, %slice3A_29 : vector<256x768xf32>
      %get3A_36 = arith.constant 0 : index
      %get3A_37 = arith.constant 0 : index
      %get3A_38 = arith.constant 0 : index
      %get3A_39 = vector.load %arg6[%get3A_36, %get3A_37, %get3A_38] : memref<1x2048x768xf32, #tpu.memory_space<vmem>>, vector<1x2048x768xf32>
      %get3A_40 = vector.shape_cast %get3A_39 : vector<1x2048x768xf32> to vector<2048x768xf32>
      %convert_element_type3A_41 = arith.truncf %get3A_40 : vector<2048x768xf32> to vector<2048x768xbf16>
      %convert_element_type3A_42 = arith.truncf %mul3A_35 : vector<256x768xf32> to vector<256x768xbf16>
      %dot_general3A_43 = arith.constant dense<0.000000e+00> : vector<256x2048xf32>
      %dot_general3A_44 = tpu.matmul %convert_element_type3A_42, %convert_element_type3A_41, %dot_general3A_43 {dimension_numbers = #tpu.dot_dimension_numbers<[1], [1], [0], [0], [0, 0, 1, 0], [], []>, transpose_lhs_hint = false} : vector<256x768xbf16>, vector<2048x768xbf16>, vector<256x2048xf32> -> vector<256x2048xf32>
      %get3A_45 = arith.constant 0 : index
      %get3A_46 = arith.constant 0 : index
      %get3A_47 = arith.constant 0 : index
      %get3A_48 = vector.load %arg7[%get3A_45, %get3A_46, %get3A_47] : memref<1x1x256xf32, #tpu.memory_space<vmem>>, vector<1x1x256xf32>
      %get3A_49 = vector.shape_cast %get3A_48 : vector<1x1x256xf32> to vector<1x256xf32>
      %jit3A = arith.constant 0.000000e+00 : f32
      %broadcast_in_dim3A = vector.shape_cast %get3A_49 : vector<1x256xf32> to vector<1x256xf32>
      %broadcast_in_dim3A_50 = vector.broadcast %broadcast_in_dim3A : vector<1x256xf32> to vector<2048x256xf32>
      %broadcast_in_dim3A_51 = vector.broadcast %jit3A : f32 to vector<2048x256xf32>
      %select_n3A = arith.select %eq3A_12, %broadcast_in_dim3A_50, %broadcast_in_dim3A_51 : vector<2048x256xi1>, vector<2048x256xf32>
      %convert_element_type3A_52 = arith.truncf %select_n3A : vector<2048x256xf32> to vector<2048x256xbf16>
      %convert_element_type3A_53 = arith.truncf %dot_general3A_44 : vector<256x2048xf32> to vector<256x2048xbf16>
      %dot_general3A_54 = arith.constant dense<0.000000e+00> : vector<2048x2048xf32>
      %dot_general3A_55 = tpu.matmul %convert_element_type3A_52, %convert_element_type3A_53, %dot_general3A_54 {dimension_numbers = #tpu.dot_dimension_numbers<[1], [0], [0], [1], [0, 0, 1, 1], [], []>, transpose_lhs_hint = false} : vector<2048x256xbf16>, vector<256x2048xbf16>, vector<2048x2048xf32> -> vector<2048x2048xf32>
      %get3A_56 = arith.constant 0 : index
      %get3A_57 = arith.constant 0 : index
      %get3A_58 = vector.load %arg8[%get3A_56, %get3A_57] : memref<2048x2048xf32, #tpu.memory_space<vmem>>, vector<2048x2048xf32>
      %add3A = arith.addf %get3A_58, %dot_general3A_55 : vector<2048x2048xf32>
      %swap3A = arith.constant 0 : index
      %swap3A_59 = arith.constant 0 : index
      %swap3A_60 = vector.load %arg8[%swap3A, %swap3A_59] : memref<2048x2048xf32, #tpu.memory_space<vmem>>, vector<2048x2048xf32>
      tpu.vector_store %arg8[%swap3A, %swap3A_59], %add3A {strides = array<i32>} : memref<2048x2048xf32, #tpu.memory_space<vmem>>, vector<2048x2048xf32>,
    } else {
    }
    return
  }
  func.func @transform_0(%arg0: i32, %arg1: memref<48xi32, #tpu.memory_space<smem>>, %arg2: memref<1xi32, #tpu.memory_space<smem>>) -> (i32, i32) {
    %c0_i32 = arith.constant 0 : i32
    %c0_i32_0 = arith.constant 0 : i32
    %c0_i32_1 = arith.constant 0 : i32
    return %c0_i32, %c0_i32_0 : i32, i32
  }
  func.func @transform_1(%arg0: i32, %arg1: memref<48xi32, #tpu.memory_space<smem>>, %arg2: memref<1xi32, #tpu.memory_space<smem>>) -> (i32, i32, i32) {
    %get3A = arith.constant 0 : index
    %get3A_0 = memref.load %arg2[%get3A] : memref<1xi32, #tpu.memory_space<smem>>
    %lt3A = arith.cmpi slt, %arg0, %get3A_0 : i32
    %get3A_1 = arith.constant 0 : index
    %get3A_2 = memref.load %arg2[%get3A_1] : memref<1xi32, #tpu.memory_space<smem>>
    %sub3A = arith.constant 1 : i32
    %sub3A_3 = arith.subi %get3A_2, %sub3A : i32
    %select_n3A = arith.select %lt3A, %arg0, %sub3A_3 : i32
    %c0_i32 = arith.constant 0 : i32
    %c0_i32_4 = arith.constant 0 : i32
    %c0_i32_5 = arith.constant 0 : i32
    return %select_n3A, %c0_i32, %c0_i32_4 : i32, i32, i32
  }
  func.func @transform_2(%arg0: i32, %arg1: memref<48xi32, #tpu.memory_space<smem>>, %arg2: memref<1xi32, #tpu.memory_space<smem>>) -> (i32, i32, i32) {
    %get3A = arith.constant 0 : index
    %get3A_0 = memref.load %arg2[%get3A] : memref<1xi32, #tpu.memory_space<smem>>
    %lt3A = arith.cmpi slt, %arg0, %get3A_0 : i32
    %get3A_1 = arith.constant 0 : index
    %get3A_2 = memref.load %arg2[%get3A_1] : memref<1xi32, #tpu.memory_space<smem>>
    %sub3A = arith.constant 1 : i32
    %sub3A_3 = arith.subi %get3A_2, %sub3A : i32
    %select_n3A = arith.select %lt3A, %arg0, %sub3A_3 : i32
    %get3A_4 = arith.index_cast %select_n3A : i32 to index
    %get3A_5 = memref.load %arg1[%get3A_4] : memref<48xi32, #tpu.memory_space<smem>>
    %c0_i32 = arith.constant 0 : i32
    %c0_i32_6 = arith.constant 0 : i32
    %c0_i32_7 = arith.constant 0 : i32
    return %get3A_5, %c0_i32, %c0_i32_6 : i32, i32, i32
  }
  func.func @transform_3(%arg0: i32, %arg1: memref<48xi32, #tpu.memory_space<smem>>, %arg2: memref<1xi32, #tpu.memory_space<smem>>) -> (i32, i32, i32) {
    %get3A = arith.constant 0 : index
    %get3A_0 = memref.load %arg2[%get3A] : memref<1xi32, #tpu.memory_space<smem>>
    %lt3A = arith.cmpi slt, %arg0, %get3A_0 : i32
    %get3A_1 = arith.constant 0 : index
    %get3A_2 = memref.load %arg2[%get3A_1] : memref<1xi32, #tpu.memory_space<smem>>
    %sub3A = arith.constant 1 : i32
    %sub3A_3 = arith.subi %get3A_2, %sub3A : i32
    %select_n3A = arith.select %lt3A, %arg0, %sub3A_3 : i32
    %get3A_4 = arith.index_cast %select_n3A : i32 to index
    %get3A_5 = memref.load %arg1[%get3A_4] : memref<48xi32, #tpu.memory_space<smem>>
    %c0_i32 = arith.constant 0 : i32
    %c0_i32_6 = arith.constant 0 : i32
    %c0_i32_7 = arith.constant 0 : i32
    return %get3A_5, %c0_i32, %c0_i32_6 : i32, i32, i32
  }
  func.func @transform_4(%arg0: i32, %arg1: memref<48xi32, #tpu.memory_space<smem>>, %arg2: memref<1xi32, #tpu.memory_space<smem>>) -> (i32, i32, i32) {
    %get3A = arith.constant 0 : index
    %get3A_0 = memref.load %arg2[%get3A] : memref<1xi32, #tpu.memory_space<smem>>
    %lt3A = arith.cmpi slt, %arg0, %get3A_0 : i32
    %get3A_1 = arith.constant 0 : index
    %get3A_2 = memref.load %arg2[%get3A_1] : memref<1xi32, #tpu.memory_space<smem>>
    %sub3A = arith.constant 1 : i32
    %sub3A_3 = arith.subi %get3A_2, %sub3A : i32
    %select_n3A = arith.select %lt3A, %arg0, %sub3A_3 : i32
    %c0_i32 = arith.constant 0 : i32
    %c0_i32_4 = arith.constant 0 : i32
    %c0_i32_5 = arith.constant 0 : i32
    return %select_n3A, %c0_i32, %c0_i32_4 : i32, i32, i32
  }
  func.func @transform_5(%arg0: i32, %arg1: memref<48xi32, #tpu.memory_space<smem>>, %arg2: memref<1xi32, #tpu.memory_space<smem>>) -> (i32, i32) {
    %c0_i32 = arith.constant 0 : i32
    %c0_i32_0 = arith.constant 0 : i32
    %c0_i32_1 = arith.constant 0 : i32
    return %c0_i32, %c0_i32_0 : i32, i32
  }
}

</mosaic_0001>

<sc_bundles>
// kernel: kernel.5.cloned.1.call-start
scs
__scs_entry_jumppad:
0x0: {  	(pc) =	sbr.rel $0x88, $3  }
0x1: {  	(tag) =	ssettag $0x0;
	lr =	simm.s32 $0x1  }
0x2: {  	[smem:$0x3F9C] =	sst lr;
	_ =	strace $0xD0000000  }
0x3: {  	_ = 	snop  }
0x4: {  	_ = 	snop  }
0x5: {  	_ = 	snop  }
0x6: {  	_ = 	snop  }
0x7: {  	_ = 	snop  }
__scs_overlays_trampoline_lowered:
0x8: {  	[smem:$0x3FAB] =	sst s0  }
0x9: {  	[smem:$0x3FAC] =	sst s1  }
0xa: {  	[smem:$0x3FAD] =	sst s2  }
0xb: {  	[smem:$0x3FAE] =	sst s3  }
0xc: {  	[smem:$0x3FAF] =	sst s4  }
0xd: {  	[smem:$0x3FB0] =	sst s5  }
0xe: {  	[smem:$0x3FB1] =	sst s6  }
0xf: {  	[smem:$0x3FB2] =	sst s7  }
0x10: {  	[smem:$0x3FB3] =	sst s8  }
0x11: {  	[smem:$0x3FB4] =	sst s9;
	s0 =	simm.s32 @!p0 $0x0  }
0x12: {  	s1 =	sld [smem:$0x3F9A];
	s0 =	simm.s32 @p0 $0x1  }
0x13: {  	[smem:$0x3FB5] =	sst s0;
	s0 =	simm.s32 @!p1 $0x0  }
0x14: {  	s2 =	sld [smem:$0x3F99];
	s0 =	simm.s32 @p1 $0x1  }
0x15: {  	[smem:$0x3FB6] =	sst s0;
	s0 =	simm.s32 @!p2 $0x0  }
0x16: {  	s3 =	sld [smem:$0x3FDB];
	s0 =	simm.s32 @p2 $0x1  }
0x17: {  	s4 =	simm.s32 $0x1BF5;
	[smem:$0x3FB8] =	sst s0  }
0x18: {  	s0 =	sld [smem:$0x3F9B];
	_ =	swait.ge [sflag:s4], $0x0  }
0x19: {  	s7 =	sld [smem:$0x3F9C]  }
0x1a: {  	s8 =	sadd.s32 $0xFFFFE003, lr  }
0x1b: {  	s9 =	sadd.s32 $0xFFFFFEF7, lr;
	s5 =	simm.s32 $0xFFFFFFFF;
	p2 =	slt.u32 s8, $0xFFFFF086  }
0x1c: {  	p1 =	slt.u32 s9, $0xF7A;
	s5 =	simm.s32 @!p2 $0x0  }
0x1d: {  	s5 =	simm.s32 @p1 $0x1;
	p0 =	seq.s32 s7, s2  }
0x1e: {  	s7 =	smul.u32 @!p0 $0xF7A, s2;
	p2 =	seq.s32 @!p0 s5, $0x0  }
0x1f: {  	s9 =	smul.u32 $0xF7A, s1;
	s8 =	simm.s32 @!p0 $0x1BF5;
	p2 =	por !p2, p0  }
0x20: {  	[sflag:s8] =	ssyncset.s32 @!p0 $0xFFFFF086;
	s6 =	sadd.s32 @!p0 s3, s7;
	s7 =	simm.s32 @!p0 $0x108  }
0x21: {  	s3 =	sadd.s32 s3, s9;
	s6 =	sadd.s32 @!p0 $0x88, s6;
	s7 =	simm.s32 @p2 $0x1082  }
0x22: {  	[simem:s7], [sflag:s8] =	dma.local @!p0 [hbm:s6], $0xF7A  }
0x23: {  	s9 =	sor.u32 $0xD0000000, s2;
	s6 =	simm.s32 $0x108;
	_ =	swait.ge @!p0 [sflag:s8], $0x0  }
0x24: {  	s3 =	sadd.s32 $0x88, s3;
	s6 =	simm.s32 @!p1 $0x1082;
	[sflag:s4] =	ssyncset.s32 $0xFFFFF086  }
0x25: {  	[simem:s6], [sflag:s4] =	dma.local [hbm:s3], $0xF7A  }
0x26: {  	[smem:$0x3F9C] =	sst s1;
	(tag) =	ssettag s2;
	_ =	strace s9  }
0x27: {  	s1 =	sld [smem:$0x3FAC]  }
0x28: {  	s2 =	sld [smem:$0x3FAD]  }
0x29: {  	s4 =	sld [smem:$0x3FAF]  }
0x2a: {  	p0 =	seq.s32 s5, $0x0;
	s5 =	sld [smem:$0x3FB0]  }
0x2b: {  	s6 =	sld [smem:$0x3FB1]  }
0x2c: {  	s7 =	sld [smem:$0x3FB2]  }
0x2d: {  	s3 =	simm.s32 $0x108;
	s8 =	sld [smem:$0x3FB3]  }
0x2e: {  	s3 =	simm.s32 @!p0 $0x1082;
	s9 =	sld [smem:$0x3FB4]  }
0x2f: {  	lr =	sadd.s32 s0, s3;
	s0 =	sld [smem:$0x3FAB]  }
0x30: {  	s3 =	sld [smem:$0x3FAE]  }
0x31: {  	[smem:$0x3FB7] =	sst s10  }
0x32: {  	s10 =	sld [smem:$0x3FB5];
	_ =	sdelay $0x3  }
0x33: {  	p0 =	seq.s32 s10, $0x1;
	s10 =	sld [smem:$0x3FB7];
	_ =	sdelay $0x3  }
0x34: {  	[smem:$0x3FB7] =	sst s10  }
0x35: {  	s10 =	sld [smem:$0x3FB6];
	_ =	sdelay $0x3  }
0x36: {  	p1 =	seq.s32 s10, $0x1;
	s10 =	sld [smem:$0x3FB7];
	_ =	sdelay $0x3  }
0x37: {  	[smem:$0x3FB7] =	sst s10  }
0x38: {  	s10 =	sld [smem:$0x3FB8]  }
0x39: {  	_ = 	snop;
	(pc) =	sbr.ind lr, $3  }
0x3a: {  	_ = 	snop  }
0x3b: {  	_ = 	snop  }
0x3c: {  	p2 =	seq.s32 s10, $0x1;
	s10 =	sld [smem:$0x3FB7]  }
0x3d: {  	_ =	shalt  }
0x3e: {  	_ =	shalt  }
0x3f: {  	_ =	shalt  }
0x40: {  	_ =	shalt  }
0x41: {  	_ =	shalt  }
0x42: {  	_ =	shalt  }
0x43: {  	_ =	shalt  }
0x44: {  	_ =	shalt  }
0x45: {  	_ =	shalt  }
0x46: {  	_ =	shalt  }
0x47: {  	_ =	shalt  }
0x48: {  	_ =	shalt  }
0x49: {  	_ =	shalt  }
0x4a: {  	_ =	shalt  }
0x4b: {  	_ =	shalt  }
0x4c: {  	_ =	shalt  }
0x4d: {  	_ =	shalt  }
0x4e: {  	_ =	shalt  }
0x4f: {  	_ =	shalt  }
0x50: {  	_ =	shalt  }
0x51: {  	_ =	shalt  }
0x52: {  	_ =	shalt  }
0x53: {  	_ =	shalt  }
0x54: {  	_ =	shalt  }
0x55: {  	_ =	shalt  }
0x56: {  	_ =	shalt  }
0x57: {  	_ =	shalt  }
0x58: {  	_ =	shalt  }
0x59: {  	_ =	shalt  }
0x5a: {  	_ =	shalt  }
0x5b: {  	_ =	shalt  }
0x5c: {  	_ =	shalt  }
0x5d: {  	_ =	shalt  }
0x5e: {  	_ =	shalt  }
0x5f: {  	_ =	shalt  }
0x60: {  	_ =	shalt  }
0x61: {  	_ =	shalt  }
0x62: {  	_ =	shalt  }
0x63: {  	_ =	shalt  }
0x64: {  	_ =	shalt  }
0x65: {  	_ =	shalt  }
0x66: {  	_ =	shalt  }
0x67: {  	_ =	shalt  }
0x68: {  	_ =	shalt  }
0x69: {  	_ =	shalt  }
0x6a: {  	_ =	shalt  }
0x6b: {  	_ =	shalt  }
0x6c: {  	_ =	shalt  }
0x6d: {  	_ =	shalt  }
0x6e: {  	_ =	shalt  }
0x6f: {  	_ =	shalt  }
0x70: {  	_ =	shalt  }
0x71: {  	_ =	shalt  }
0x72: {  	_ =	shalt  }
0x73: {  	_ =	shalt  }
0x74: {  	_ =	shalt  }
0x75: {  	_ =	shalt  }
0x76: {  	_ =	shalt  }
0x77: {  	_ =	shalt  }
0x78: {  	_ =	shalt  }
0x79: {  	_ =	shalt  }
0x7a: {  	_ =	shalt  }
0x7b: {  	_ =	shalt  }
0x7c: {  	_ =	shalt  }
0x7d: {  	_ =	shalt  }
0x7e: {  	_ =	shalt  }
0x7f: {  	_ =	shalt  }
0x80: {  	_ =	shalt  }
0x81: {  	_ =	shalt  }
0x82: {  	_ =	shalt  }
0x83: {  	_ =	shalt  }
0x84: {  	_ =	shalt  }
0x85: {  	_ =	shalt  }
0x86: {  	_ =	shalt  }
0x87: {  	_ =	shalt  }
.Lfunc_end0:
.L_simem_size_0:
called_computation_lowered:
.L_overlay_start_0:
0x88: {  	s2 =	sld [smem:$0x3FD9]  }
0x89: {  	s3 =	sld [smem:$0x3FFE];
	_ =	sdelay $0x1  }
0x8a: {  	s1 =	srdreg.scid  }
0x8b: {  	s0 =	sand.u32 $0x1, s1  }
0x8c: {  	s17 =	sshll.u32 s0, $0xA;
	s2 =	sadd.s32 s3, s2  }
0x8d: {  	s2 =	sadd.s32 s2, s17  }
0x8e: {  	[smem:$0x3FC3] =	sst s2  }
0x8f: {  	_ = 	snop  }
0x90: {  	s2 =	sld [smem:$0x3FD0];
	(tm) =	ssettm $0x1  }
0x91: {  	s18 =	sld [smem:$0x3FFB];
	_ =	sdelay $0x3  }
0x92: {  	_ =	strace s18  }
0x93: {  	s3 =	sld [smem:$0x3FFC];
	_ =	sdelay $0x3  }
0x94: {  	_ =	strace s3  }
0x95: {  	s3 =	sld [smem:$0x3FFD];
	_ =	sdelay $0x3  }
0x96: {  	_ =	strace s3  }
0x97: {  	_ =	strace $0x8FFFFFFF  }
0x98: {  	s19 =	sld [smem:$0x3FDB];
	_ =	sdelay $0x1  }
0x99: {  	s4 =	simm.s32 $_scs_section_size  }
0x9a: {  	s5 =	simm.s32 $_size__tile_overlayer_lowered;
	s6 =	simm.s32 $_tile_overlayer_lowered  }
0x9b: {  	s22 =	simm.s32 $0x1BFF;
	s21 =	sshll.u32 s6, $0x1;
	s3 =	sadd.s32 s4, s19  }
0x9c: {  	s7 =	simm.s32 $0x0;
	s20 =	sshll.u32 s5, $0x1;
	s5 =	sadd.s32 s21, s3  }
0x9d: {  	[timem:s7], [sflag:s22] =	dma.local [hbm:s5], s20  }
0x9e: {  	_ =	swait.ge [sflag:s22], s20  }
0x9f: {  	s4 =	ssub.s32 $0x0, s20;
	[sflag:s22] =	ssyncset.done $0x0  }
0xa0: {  	[sflag:s22] =	ssyncadd.s32 s4;
	_ =	sdelay $0x1  }
0xa1: {  	s23 =	simm.s32 $0x1B8B  }
0xa2: {  	_ =	swait.ge [sflag:s23], $0x1  }
0xa3: {  	[sflag:s23] =	ssyncset.done $0x0  }
0xa4: {  	s25 =	simm.s32 $0x1B8E;
	s24 =	sld [smem:$0x3FFE];
	[sflag:s23] =	ssyncadd.s32 $0xFFFFFFFF  }
0xa5: {  	s26 =	simm.s32 $execute0_lowered;
	[smem:$0x3FD2] =	sst s25  }
0xa6: {  	s5 =	sshll.u32 s26, $0x1;
	_ =	strace $0x80000046;
	[dreg:$0x1] =	wrdreg $0xFFFFFFFF  }
0xa7: {  	s28 =	simm.s32 $_size_execute0_lowered;
	s3 =	sadd.s32 s3, s5;
	[dreg:$0x0] =	wrdreg $0x0  }
0xa8: {  	s5 =	sshll.u32 s28, $0x1;
	[dreg:$0x2] =	wrdreg s3  }
0xa9: {  	[dreg:$0x3] =	wrdreg s5  }
0xaa: {  	[dreg:$0x4] =	wrdreg $0xC0  }
0xab: {  	_ =	task [dreg:s7], $0x5FFFF  }
0xac: {  	[dreg:$0x1] =	wrdreg $0xFFFFFFFF  }
0xad: {  	[dreg:$0x0] =	wrdreg $0x60  }
0xae: {  	[dreg:$0x2] =	wrdreg s2  }
0xaf: {  	[dreg:$0x3] =	wrdreg s24  }
0xb0: {  	[dreg:$0x4] =	wrdreg $0x9  }
0xb1: {  	_ =	task.clear_ibuf [dreg:s7], $0x5FFFF;
	_ =	strace $0x90000046  }
0xb2: {  	s29 =	simm.s32 $0x9;
	_ =	strace $0x80000048  }
0xb3: {  	_ =	swait.ge [sflag:s29], $0x1  }
0xb4: {  	[sflag:s29] =	ssyncadd.s32 $0xFFFFFFFF  }
0xb5: {  	_ =	strace $0x90000048  }
0xb6: {  	_ =	sfence  }
0xb7: {  	s30 =	sld [smem:$0x0];
	_ =	sdelay $0x2  }
0xb8: {  	s31 =	sshll.u32 s1, $0xD;
	s1 =	sshrl.u32 s1, $0x2  }
0xb9: {  	s3 =	sand.u32 $0x4000, s31;
	s1 =	sadd.s32 s1, s30  }
0xba: {  	s0 =	sor.u32 s3, s0;
	s1 =	sshll.u32 s1, $0x11  }
0xbb: {  	s0 =	sor.u32 s1, s0  }
0xbc: {  	s0 =	sadd.s32 $0x8F2B, s0  }
0xbd: {  	[sflag:s0] =	ssyncadd.remote.s32 $0x1  }
0xbe: {  	_ =	sfence.sel $0xFFFF  }
0xbf: {  	[dreg:$0x0] =	wrdreg $0xFFFFFFFF;
	(pc) =	sbr.abs _section_cstart, $3  }
0xc0: {  	[dreg:$0x1] =	wrdreg $0xFFFFFFFF  }
0xc1: {  	_ =	task.clear_ibuf [dreg:s7], $0x2FFFF;
	_ =	strace $0x9FFFFFFF  }
0xc2: {  	(tm) =	ssettm $0x7FFFFFFF  }
0xc3: {  	_ =	shalt  }
tec
execute0_lowered:
.L_overlay_start_1:
0x0: {  	(tag) =	ssettag $0x1  }
0x1: {  	s0 =	srdreg.scid  }
0x2: {  	s5 =	sand.u32 $0x1, s0;
	s0 =	stileid.u32  }
0x3: {  	s3 =	sor.u32 s0, s5  }
0x4: {  	p0 =	sne.s32 s3, $0x0  }
.Ltmp0:
0x5: {  	_ = 	snop;
	(pc) =	sbr.rel @p0 .LBB2_7-.Ltmp0, $4  }
0x6: {  	_ = 	snop  }
0x7: {  	s2 =	rddreg [dreg:$0x0]  }
0x8: {  	s8 =	rddreg [dreg:$0x1]  }
0x9: {  	s1 =	rddreg [dreg:$0x2];
	_ =	strace $0x80000047  }
0xa: {  	s3 =	sadd.s32 $0xE00, s8;
	s4 =	sadd.s32 $0x1000, s8;
	s9 =	ssub.s32 $0x2, s5  }
0xb: {  	s5 =	sadd.s32 $0xC00, s8;
	s6 =	sadd.s32 $0x1400, s8;
	s7 =	sadd.s32 $0x1A00, s8  }
0xc: {  	s8 =	sadd.s32 $0x1200, s8;
	s11 =	simm.s32 $0x1;
	s12 =	simm.s32 $0x1000  }
0xd: {  	s13 =	simm.s32 $0x2000;
	s14 =	simm.s32 $0x3000;
	s15 =	simm.s32 $0x3080  }
0xe: {  	s16 =	simm.s32 $0x6080;
	s17 =	simm.s32 $0x9080;
	s10 =	sshrl.u32 s9, $0x1  }
0xf: {  	v0 =	vimm.s32 $0x0;
	v1 =	vimm.f32 $0.0e+00;
	v2 =	vlaneseq.u32;
	s18 =	simm.s32 $0x0;
	s9 =	ssub.s32 s9, s10;
	s10 =	simm.s32 $0x0  }
.LBB2_2:
0x10: {  	[tilespmem:s10], [sflag:$0x1] =	stream.linear.gather [hbm4b:s2+s10], $0x1000, $0x38;
	[tilespmem:$0xA080] =	vst v63  }
0x11: {  	_ =	swait.ge [sflag:s11], $0x1000  }
0x12: {  	[sflag:s11] =	ssyncset.done $0x0  }
0x13: {  	[sflag:s11] =	ssyncadd.s32 $0xFFFFF000  }
0x14: {  	[tilespmem:s12], [sflag:$0x1] =	stream.linear.gather [hbm4b:s3+s10], $0x1000, $0x38;
	[tilespmem:$0xA080] =	vst v63  }
0x15: {  	_ =	swait.ge [sflag:s11], $0x1000  }
0x16: {  	[sflag:s11] =	ssyncset.done $0x0  }
0x17: {  	[sflag:s11] =	ssyncadd.s32 $0xFFFFF000  }
0x18: {  	[tilespmem:s13], [sflag:$0x1] =	stream.linear.gather [hbm4b:s4+s10], $0x1000, $0x38;
	[tilespmem:$0xA080] =	vst v63  }
0x19: {  	_ =	swait.ge [sflag:s11], $0x1000  }
0x1a: {  	[sflag:s11] =	ssyncset.done $0x0  }
0x1b: {  	[sflag:s11] =	ssyncadd.s32 $0xFFFFF000  }
0x1c: {  	[tilespmem:s14], [sflag:$0x1] =	stream.linear.gather [hbm4b:s5+s10], $0x80, $0x38;
	[tilespmem:$0xA080] =	vst v63  }
0x1d: {  	_ =	swait.ge [sflag:s11], $0x80  }
0x1e: {  	[sflag:s11] =	ssyncset.done $0x0  }
0x1f: {  	s19 =	simm.s32 $0x0;
	[sflag:s11] =	ssyncadd.s32 $0xFFFFFF80  }
.LBB2_3:
0x20: {  	p0 =	sne.s32 s19, $0xBFC0  }
.Ltmp1:
0x21: {  	_ = 	snop;
	(pc) =	sbr.rel @p0 .LBB2_3-.Ltmp1, $4  }
0x22: {  	_ = 	snop  }
0x23: {  	s20 =	sshra.s32 s19, $0x2  }
0x24: {  	[tilespmem:s20+$0x3080] =	vst v0  }
0x25: {  	s19 =	sadd.s32 $0x40, s19;
	[tilespmem:s20+$0x6080] =	vst v1  }
0x26: {  	s19 =	simm.s32 $0x0;
	s20 =	simm.s32 $0x1000  }
0x27: {  	s21 =	simm.s32 $0x2000;
	s22 =	simm.s32 $0x9080;
	s23 =	simm.s32 $0x0  }
.LBB2_5:
0x28: {  	v3 =	vld [tilespmem:s19+$0x0];
	_ =	sdelay $0x6  }
0x29: {  	v4 =	vld [tilespmem:s20+$0x0]  }
0x2a: {  	v3 =	vld.idx.msk [tilespmem:v3+s14+$0x0], $0xffff;
	_ =	sdelay $0x4  }
0x2b: {  	v3 =	vadd.s32 v4, v3  }
0x2c: {  	v63 =	vld [tilespmem:s21+$0x0]  }
0x2d: {  	p0 =	sne.s32 s23, $0xFF0  }
.Ltmp2:
0x2e: {  	v5 =	vor.u32 s23, v2;
	(pc) =	sbr.rel @p0 .LBB2_5-.Ltmp2, $4  }
0x2f: {  	v5 =	vshrl.u32 v5, $0x1  }
0x30: {  	[tilespmem:v3+s15+$0x0] =	vst.idx.msk $0xffff, v5  }
0x31: {  	s19 =	sadd.s32 $0x10, s19;
	s20 =	sadd.s32 $0x10, s20;
	[tilespmem:v3+s16+$0x0] =	vst.idx.msk $0xffff, v63  }
0x32: {  	s21 =	sadd.s32 $0x10, s21;
	s23 =	sadd.s32 $0x10, s23;
	[tilespmem:s22+$0x0] =	vst v3;
	s22 =	sadd.s32 $0x10, s22  }
0x33: {  	[hbm4b:s6+s10] =	stream.linear.scatter [tilespmem:s15], [sflag:$0x1], $0x3000, $0x38;
	[tilespmem:$0xA080] =	vst v63  }
0x34: {  	_ =	swait.ge [sflag:s11], $0x3000  }
0x35: {  	[sflag:s11] =	ssyncset.done $0x0  }
0x36: {  	[sflag:s11] =	ssyncadd.s32 $0xFFFFD000  }
0x37: {  	[hbm4b:s7+s10] =	stream.linear.scatter [tilespmem:s16], [sflag:$0x1], $0x3000, $0x38;
	[tilespmem:$0xA080] =	vst v63  }
0x38: {  	s18 =	sadd.s32 $0x1, s18;
	_ =	swait.ge [sflag:s11], $0x3000  }
0x39: {  	p0 =	sne.s32 s18, s9;
	[sflag:s11] =	ssyncset.done $0x0  }
.Ltmp3:
0x3a: {  	[sflag:s11] =	ssyncadd.s32 $0xFFFFD000;
	(pc) =	sbr.rel @p0 .LBB2_2-.Ltmp3, $4  }
0x3b: {  	[hbm4b:s8+s10] =	stream.linear.scatter [tilespmem:s17], [sflag:$0x1], $0x1000, $0x38;
	[tilespmem:$0xA080] =	vst v63  }
0x3c: {  	_ =	swait.ge [sflag:s11], $0x1000  }
0x3d: {  	[sflag:s11] =	ssyncset.done $0x0  }
0x3e: {  	[sflag:s11] =	ssyncadd.s32 $0xFFFFF000  }
.LBB2_7:
0x3f: {  	_ =	sfence.sel $0x180000  }
0x40: {  	[bflag:$0x0] =	sbarrier.arrive $0xFFFF  }
0x41: {  	p0 =	sne.s32 s0, $0x0;
	_ =	strace $0x90000047  }
0x42: {  	s0 =	sadd.s32 @!p0 $0x100000, s1;
	[bflag:$0x2] =	sbarrier.arrive $0xFFFF  }
0x43: {  	[sflag:s0] =	ssyncadd.tile.s32 @!p0 $0x1;
	_ =	shalt  }
.Lfunc_end2:
_tile_overlayer_lowered:
.L_overlay_start_2:
0x44: {  	(tag) =	ssettag $0x2  }
0x45: {  	s0 =	rddreg [dreg:$0x0];
	s2 =	stileid.u32  }
0x46: {  	s1 =	rddreg [dreg:$0x1];
	p0 =	sne.s32 s2, $0x0  }
0x47: {  	s3 =	rddreg [dreg:$0x2];
	[bflag:$0x3] =	sbarrier.arrive $0xFFFF;
	s2 =	simm.s32 @!p0 $0x1C01  }
0x48: {  	[timem:s3], [sflag:s2] =	dma.local @!p0 [hbm:s0], s1  }
0x49: {  	s0 =	simm.s32 @!p0 $0x1  }
0x4a: {  	_ =	swait.ge @!p0 [sflag:s0], s1  }
0x4b: {  	s1 =	ssub.s32 @!p0 $0x0, s1;
	[sflag:s0] =	ssyncset.done @!p0 $0x0  }
0x4c: {  	[sflag:s0] =	ssyncadd.s32 @!p0 s1  }
0x4d: {  	[bflag:$0x3] =	sbarrier.arrive $0xFFFF  }
0x4e: {  	_ =	shalt  }

</sc_bundles>
